<compile_context>
chip_gen: v7x
topology: tpu7x:2x2x1
jax: 0.10.2.dev20260603
libtpu: 0.0.44.dev20260713+nightly
codegen_flags: <defaults>
</compile_context>

<pallas_src>
import functools

import numpy as np
import jax
import jax.numpy as jnp
from jax import lax
from jax.experimental import pallas as pl
from jax.experimental.pallas import tpu as pltpu
from jax.experimental.pallas import tpu_sc as plsc

VOCAB = 100000
EMBED = 128
WINDOW = 2048
BATCH = 4
SEQ = 2048

SCALE = float(np.sqrt(float(EMBED)))

NUM_CORES = 2
NUM_SUBCORES = 16
NW = NUM_CORES * NUM_SUBCORES
PPW = SEQ // NW
LANES = 16
NVEC = EMBED // LANES
HALF = EMBED // 2


def _pe_tables() -> np.ndarray:
    rates = 1.0 / 10000 ** (np.arange(HALF) / HALF)
    r = np.concatenate([rates, rates])
    p0 = (np.arange(NW) * PPW)[:, np.newaxis]
    tab = np.stack(
        [
            np.sin(p0 * r),
            np.cos(p0 * r),
            np.broadcast_to(np.cos(r), (NW, EMBED)),
            np.broadcast_to(np.sin(r), (NW, EMBED)),
        ],
        axis=1,
    )
    return np.ascontiguousarray(tab).astype(np.float32)


_TAB_NP = _pe_tables()

_MESH = plsc.VectorSubcoreMesh(
    core_axis_name="c", subcore_axis_name="s",
    num_cores=NUM_CORES, num_subcores=NUM_SUBCORES,
)


@functools.partial(
    pl.kernel,
    out_type=jax.ShapeDtypeStruct((BATCH, SEQ, EMBED), jnp.float32),
    mesh=_MESH,
    scratch_types=[
        pltpu.VMEM((BATCH, PPW), jnp.int32),
        pltpu.VMEM((BATCH, PPW, EMBED), jnp.float32),
        pltpu.VMEM((PPW, EMBED), jnp.float32),
        pltpu.VMEM((4, EMBED), jnp.float32),
        pltpu.SemaphoreType.DMA,
        pltpu.SemaphoreType.DMA,
    ],
)
def _sc_embed(x_hbm, table_hbm, tab_hbm, out_hbm, idx_v, rows_v, pe_v, ab_v,
              sem, osem):
    wid = lax.axis_index("s") * NUM_CORES + lax.axis_index("c")
    p0 = wid * PPW
    cb = lax.div(wid, 2)
    coff = lax.rem(wid, 2) * PPW

    tab_cp = pltpu.async_copy(tab_hbm.at[wid], ab_v, osem)
    idx_cps = [
        pltpu.async_copy(x_hbm.at[cb, b, pl.ds(coff, PPW)], idx_v.at[b], sem)
        for b in range(BATCH)
    ]
    gathers = []
    for b in range(BATCH):
        idx_cps[b].wait()
        gathers.append(
            pltpu.async_copy(table_hbm.at[idx_v.at[b]], rows_v.at[b], sem)
        )
    tab_cp.wait()

    svec = [ab_v[0, pl.ds(j * LANES, LANES)] for j in range(NVEC)]
    cvec = [ab_v[1, pl.ds(j * LANES, LANES)] for j in range(NVEC)]
    cr = [ab_v[2, pl.ds(j * LANES, LANES)] for j in range(NVEC)]
    sr = [ab_v[3, pl.ds(j * LANES, LANES)] for j in range(NVEC)]

    def pe_body(q, carry):
        s = carry[:NVEC]
        c = carry[NVEC:]
        for j in range(NVEC):
            sl = pl.ds(j * LANES, LANES)
            pe_v[q, sl] = s[j] if j < NVEC // 2 else c[j]
        s_n = [s[j] * cr[j] + c[j] * sr[j] for j in range(NVEC)]
        c_n = [c[j] * cr[j] - s[j] * sr[j] for j in range(NVEC)]
        return tuple(s_n) + tuple(c_n)

    lax.fori_loop(0, PPW, pe_body, tuple(svec) + tuple(cvec))

    outs = []
    for b in range(BATCH):
        gathers[b].wait()

        def body(q, carry, b=b):
            for j in range(NVEC):
                sl = pl.ds(j * LANES, LANES)
                rows_v[b, q, sl] = rows_v[b, q, sl] * SCALE + pe_v[q, sl]
            return carry

        lax.fori_loop(0, PPW, body, 0)
        outs.append(
            pltpu.async_copy(rows_v.at[b], out_hbm.at[b].at[pl.ds(p0, PPW)], osem)
        )
    for o in outs:
        o.wait()


def kernel(x, table):
    x3 = jnp.transpose(
        x.astype(jnp.int32).reshape(BATCH, SEQ // 128, 128), (1, 0, 2)
    )
    return _sc_embed(x3, table, jnp.asarray(_TAB_NP))

# --- scband reference (transcript-rebuilt; emitter-appended) ---
"""Pipeline reference for scband-positional-encoding-56023553409177 (READ-ONLY COPY).

The authoritative reference and input builder live on the scoring server;
editing this copy changes nothing except your own understanding.
"""

import jax, jax.numpy as jnp
import numpy as np

VOCAB = 100000
EMBED = 128
WINDOW = 2048
BATCH = 4
SEQ = 2048

def positional_encoding(length, depth):
    depth_h = depth / 2
    positions = np.arange(length)[:, np.newaxis]
    depths = np.arange(depth_h)[np.newaxis, :] / depth_h
    angle_rates = 1 / 10000 ** depths
    angle_rads = positions * angle_rates
    pos_encoding = np.concatenate([np.sin(angle_rads), np.cos(angle_rads)], axis=-1)
    return jnp.asarray(pos_encoding, dtype=jnp.float32)

def setup_inputs(seed: int = 0) -> dict:
    key = jax.random.key(seed)
    k1, k2 = jax.random.split(key)
    x = jax.random.randint(k1, (BATCH, SEQ), 0, VOCAB, dtype=jnp.int64 if jax.config.read('jax_enable_x64') else jnp.int32)
    # Keras Embedding default init: uniform(-0.05, 0.05)
    table = jax.random.uniform(k2, (VOCAB, EMBED), dtype=jnp.float32, minval=-0.05, maxval=0.05)
    return {"x": x, "table": table}

def reference(x, table):
    pos_encoding = positional_encoding(WINDOW, EMBED)
    seq_len = x.shape[1]
    out = jnp.take(table, x, axis=0)
    out = out * jnp.sqrt(jnp.asarray(EMBED, dtype=jnp.float32))
    out = out + pos_encoding[:seq_len, :]
    return out

if __name__ == "__main__":
    import jax
    _d = setup_inputs()
    print(jax.jit(kernel)(*tuple(_d.values())))

</pallas_src>

<mosaic_0001>
#map = affine_map<(d0, d1) -> (0, 0, 0)>
#map1 = affine_map<(d0, d1) -> (0, 0)>
module attributes {stable_mosaic.version = 14 : i64} {
  func.func @_sc_embed(%arg0: i32, %arg1: i32, %arg2: memref<16x4x128xi32, #tpu.memory_space<hbm>>, %arg3: memref<100000x128xf32, #tpu.memory_space<hbm>>, %arg4: memref<32x4x128xf32, #tpu.memory_space<hbm>>, %arg5: memref<4x2048x128xf32, #tpu.memory_space<hbm>>, %arg6: memref<4x64xi32, #tpu.memory_space<vmem>>, %arg7: memref<4x64x128xf32, #tpu.memory_space<vmem>>, %arg8: memref<64x128xf32, #tpu.memory_space<vmem>>, %arg9: memref<4x128xf32, #tpu.memory_space<vmem>>, %arg10: memref<!tpu.dma_semaphore, #tpu.memory_space<semaphore_mem>>, %arg11: memref<!tpu.dma_semaphore, #tpu.memory_space<semaphore_mem>>) attributes {dimension_semantics = [#tpu.dimension_semantics<core_parallel>, #tpu.dimension_semantics<subcore_parallel>], iteration_bounds = array<i64: 2, 16>, scalar_prefetch = 0 : i64, scratch_operands = 6 : i64, tpu.core_type = #tpu.core_type<sc_vector_subcore>, window_params = [{transform_indices = #map}, {transform_indices = #map1}, {transform_indices = #map}, {transform_indices = #map}]} {
    %mul3A = arith.constant 2 : i32
    %mul3A_0 = arith.muli %arg1, %mul3A : i32
    %add3A = arith.addi %mul3A_0, %arg0 : i32
    %mul3A_1 = arith.constant 64 : i32
    %mul3A_2 = arith.muli %add3A, %mul3A_1 : i32
    %div3A = arith.constant 2 : i32
    %div3A_3 = arith.divsi %add3A, %div3A : i32
    %rem3A = arith.constant 2 : i32
    %rem3A_4 = arith.remsi %add3A, %rem3A : i32
    %mul3A_5 = arith.constant 64 : i32
    %mul3A_6 = arith.muli %rem3A_4, %mul3A_5 : i32
    %dma_start3A = arith.constant 0 : i32
    %dma_start3A_7 = arith.constant 0 : i32
    %dma_start3A_8 = tpu.memref_slice %arg4[%add3A, %dma_start3A, %dma_start3A_7] : memref<32x4x128xf32, #tpu.memory_space<hbm>> -> memref<1x4x128xf32, #tpu.memory_space<hbm>>
    %dma_start3A_9 = tpu.memref_squeeze %dma_start3A_8 : memref<1x4x128xf32, #tpu.memory_space<hbm>> -> memref<4x128xf32, #tpu.memory_space<hbm>>
    %dma_start3A_10 = arith.constant 0 : i32
    %dma_start3A_11 = arith.constant 0 : i32
    %dma_start3A_12 = tpu.memref_slice %arg4[%add3A, %dma_start3A_10, %dma_start3A_11] : memref<32x4x128xf32, #tpu.memory_space<hbm>> -> memref<1x4x128xf32, #tpu.memory_space<hbm>>
    %dma_start3A_13 = tpu.memref_squeeze %dma_start3A_12 : memref<1x4x128xf32, #tpu.memory_space<hbm>> -> memref<4x128xf32, #tpu.memory_space<hbm>>
    tpu.enqueue_dma source(%dma_start3A_13 : memref<4x128xf32, #tpu.memory_space<hbm>>) target(%arg9 : memref<4x128xf32, #tpu.memory_space<vmem>>) target_semaphore(%arg11 : memref<!tpu.dma_semaphore, #tpu.memory_space<semaphore_mem>>)
    %dma_start3A_14 = arith.constant 0 : i32
    %dma_start3A_15 = arith.constant 0 : i32
    %dma_start3A_16 = arith.constant 0 : i32
    %dma_start3A_17 = tpu.memref_slice %arg6[%dma_start3A_15, %dma_start3A_16] : memref<4x64xi32, #tpu.memory_space<vmem>> -> memref<1x64xi32, #tpu.memory_space<vmem>>
    %dma_start3A_18 = tpu.memref_squeeze %dma_start3A_17 : memref<1x64xi32, #tpu.memory_space<vmem>> -> memref<64xi32, #tpu.memory_space<vmem>>
    %dma_start3A_19 = tpu.memref_slice %arg2[%div3A_3, %dma_start3A_14, %mul3A_6] : memref<16x4x128xi32, #tpu.memory_space<hbm>> -> memref<1x1x64xi32, #tpu.memory_space<hbm>>
    %dma_start3A_20 = tpu.memref_squeeze %dma_start3A_19 : memref<1x1x64xi32, #tpu.memory_space<hbm>> -> memref<64xi32, #tpu.memory_space<hbm>>
    %dma_start3A_21 = arith.constant 0 : i32
    %dma_start3A_22 = tpu.memref_slice %arg6[%dma_start3A_15, %dma_start3A_21] : memref<4x64xi32, #tpu.memory_space<vmem>> -> memref<1x64xi32, #tpu.memory_space<vmem>>
    %dma_start3A_23 = tpu.memref_squeeze %dma_start3A_22 : memref<1x64xi32, #tpu.memory_space<vmem>> -> memref<64xi32, #tpu.memory_space<vmem>>
    %dma_start3A_24 = tpu.memref_slice %arg2[%div3A_3, %dma_start3A_14, %mul3A_6] : memref<16x4x128xi32, #tpu.memory_space<hbm>> -> memref<1x1x64xi32, #tpu.memory_space<hbm>>
    %dma_start3A_25 = tpu.memref_squeeze %dma_start3A_24 : memref<1x1x64xi32, #tpu.memory_space<hbm>> -> memref<64xi32, #tpu.memory_space<hbm>>
    tpu.enqueue_dma source(%dma_start3A_25 : memref<64xi32, #tpu.memory_space<hbm>>) target(%dma_start3A_23 : memref<64xi32, #tpu.memory_space<vmem>>) target_semaphore(%arg10 : memref<!tpu.dma_semaphore, #tpu.memory_space<semaphore_mem>>)
    %dma_start3A_26 = arith.constant 1 : i32
    %dma_start3A_27 = arith.constant 1 : i32
    %dma_start3A_28 = arith.constant 0 : i32
    %dma_start3A_29 = tpu.memref_slice %arg6[%dma_start3A_27, %dma_start3A_28] : memref<4x64xi32, #tpu.memory_space<vmem>> -> memref<1x64xi32, #tpu.memory_space<vmem>>
    %dma_start3A_30 = tpu.memref_squeeze %dma_start3A_29 : memref<1x64xi32, #tpu.memory_space<vmem>> -> memref<64xi32, #tpu.memory_space<vmem>>
    %dma_start3A_31 = tpu.memref_slice %arg2[%div3A_3, %dma_start3A_26, %mul3A_6] : memref<16x4x128xi32, #tpu.memory_space<hbm>> -> memref<1x1x64xi32, #tpu.memory_space<hbm>>
    %dma_start3A_32 = tpu.memref_squeeze %dma_start3A_31 : memref<1x1x64xi32, #tpu.memory_space<hbm>> -> memref<64xi32, #tpu.memory_space<hbm>>
    %dma_start3A_33 = arith.constant 0 : i32
    %dma_start3A_34 = tpu.memref_slice %arg6[%dma_start3A_27, %dma_start3A_33] : memref<4x64xi32, #tpu.memory_space<vmem>> -> memref<1x64xi32, #tpu.memory_space<vmem>>
    %dma_start3A_35 = tpu.memref_squeeze %dma_start3A_34 : memref<1x64xi32, #tpu.memory_space<vmem>> -> memref<64xi32, #tpu.memory_space<vmem>>
    %dma_start3A_36 = tpu.memref_slice %arg2[%div3A_3, %dma_start3A_26, %mul3A_6] : memref<16x4x128xi32, #tpu.memory_space<hbm>> -> memref<1x1x64xi32, #tpu.memory_space<hbm>>
    %dma_start3A_37 = tpu.memref_squeeze %dma_start3A_36 : memref<1x1x64xi32, #tpu.memory_space<hbm>> -> memref<64xi32, #tpu.memory_space<hbm>>
    tpu.enqueue_dma source(%dma_start3A_37 : memref<64xi32, #tpu.memory_space<hbm>>) target(%dma_start3A_35 : memref<64xi32, #tpu.memory_space<vmem>>) target_semaphore(%arg10 : memref<!tpu.dma_semaphore, #tpu.memory_space<semaphore_mem>>)
    %dma_start3A_38 = arith.constant 2 : i32
    %dma_start3A_39 = arith.constant 2 : i32
    %dma_start3A_40 = arith.constant 0 : i32
    %dma_start3A_41 = tpu.memref_slice %arg6[%dma_start3A_39, %dma_start3A_40] : memref<4x64xi32, #tpu.memory_space<vmem>> -> memref<1x64xi32, #tpu.memory_space<vmem>>
    %dma_start3A_42 = tpu.memref_squeeze %dma_start3A_41 : memref<1x64xi32, #tpu.memory_space<vmem>> -> memref<64xi32, #tpu.memory_space<vmem>>
    %dma_start3A_43 = tpu.memref_slice %arg2[%div3A_3, %dma_start3A_38, %mul3A_6] : memref<16x4x128xi32, #tpu.memory_space<hbm>> -> memref<1x1x64xi32, #tpu.memory_space<hbm>>
    %dma_start3A_44 = tpu.memref_squeeze %dma_start3A_43 : memref<1x1x64xi32, #tpu.memory_space<hbm>> -> memref<64xi32, #tpu.memory_space<hbm>>
    %dma_start3A_45 = arith.constant 0 : i32
    %dma_start3A_46 = tpu.memref_slice %arg6[%dma_start3A_39, %dma_start3A_45] : memref<4x64xi32, #tpu.memory_space<vmem>> -> memref<1x64xi32, #tpu.memory_space<vmem>>
    %dma_start3A_47 = tpu.memref_squeeze %dma_start3A_46 : memref<1x64xi32, #tpu.memory_space<vmem>> -> memref<64xi32, #tpu.memory_space<vmem>>
    %dma_start3A_48 = tpu.memref_slice %arg2[%div3A_3, %dma_start3A_38, %mul3A_6] : memref<16x4x128xi32, #tpu.memory_space<hbm>> -> memref<1x1x64xi32, #tpu.memory_space<hbm>>
    %dma_start3A_49 = tpu.memref_squeeze %dma_start3A_48 : memref<1x1x64xi32, #tpu.memory_space<hbm>> -> memref<64xi32, #tpu.memory_space<hbm>>
    tpu.enqueue_dma source(%dma_start3A_49 : memref<64xi32, #tpu.memory_space<hbm>>) target(%dma_start3A_47 : memref<64xi32, #tpu.memory_space<vmem>>) target_semaphore(%arg10 : memref<!tpu.dma_semaphore, #tpu.memory_space<semaphore_mem>>)
    %dma_start3A_50 = arith.constant 3 : i32
    %dma_start3A_51 = arith.constant 3 : i32
    %dma_start3A_52 = arith.constant 0 : i32
    %dma_start3A_53 = tpu.memref_slice %arg6[%dma_start3A_51, %dma_start3A_52] : memref<4x64xi32, #tpu.memory_space<vmem>> -> memref<1x64xi32, #tpu.memory_space<vmem>>
    %dma_start3A_54 = tpu.memref_squeeze %dma_start3A_53 : memref<1x64xi32, #tpu.memory_space<vmem>> -> memref<64xi32, #tpu.memory_space<vmem>>
    %dma_start3A_55 = tpu.memref_slice %arg2[%div3A_3, %dma_start3A_50, %mul3A_6] : memref<16x4x128xi32, #tpu.memory_space<hbm>> -> memref<1x1x64xi32, #tpu.memory_space<hbm>>
    %dma_start3A_56 = tpu.memref_squeeze %dma_start3A_55 : memref<1x1x64xi32, #tpu.memory_space<hbm>> -> memref<64xi32, #tpu.memory_space<hbm>>
    %dma_start3A_57 = arith.constant 0 : i32
    %dma_start3A_58 = tpu.memref_slice %arg6[%dma_start3A_51, %dma_start3A_57] : memref<4x64xi32, #tpu.memory_space<vmem>> -> memref<1x64xi32, #tpu.memory_space<vmem>>
    %dma_start3A_59 = tpu.memref_squeeze %dma_start3A_58 : memref<1x64xi32, #tpu.memory_space<vmem>> -> memref<64xi32, #tpu.memory_space<vmem>>
    %dma_start3A_60 = tpu.memref_slice %arg2[%div3A_3, %dma_start3A_50, %mul3A_6] : memref<16x4x128xi32, #tpu.memory_space<hbm>> -> memref<1x1x64xi32, #tpu.memory_space<hbm>>
    %dma_start3A_61 = tpu.memref_squeeze %dma_start3A_60 : memref<1x1x64xi32, #tpu.memory_space<hbm>> -> memref<64xi32, #tpu.memory_space<hbm>>
    tpu.enqueue_dma source(%dma_start3A_61 : memref<64xi32, #tpu.memory_space<hbm>>) target(%dma_start3A_59 : memref<64xi32, #tpu.memory_space<vmem>>) target_semaphore(%arg10 : memref<!tpu.dma_semaphore, #tpu.memory_space<semaphore_mem>>)
    %dma_wait3A = arith.constant 0 : i32
    %dma_wait3A_62 = arith.constant 0 : i32
    %dma_wait3A_63 = arith.constant 0 : i32
    %dma_wait3A_64 = tpu.memref_slice %arg6[%dma_wait3A_62, %dma_wait3A_63] : memref<4x64xi32, #tpu.memory_space<vmem>> -> memref<1x64xi32, #tpu.memory_space<vmem>>
    %dma_wait3A_65 = tpu.memref_squeeze %dma_wait3A_64 : memref<1x64xi32, #tpu.memory_space<vmem>> -> memref<64xi32, #tpu.memory_space<vmem>>
    %dma_wait3A_66 = tpu.memref_slice %arg2[%div3A_3, %dma_wait3A, %mul3A_6] : memref<16x4x128xi32, #tpu.memory_space<hbm>> -> memref<1x1x64xi32, #tpu.memory_space<hbm>>
    %dma_wait3A_67 = tpu.memref_squeeze %dma_wait3A_66 : memref<1x1x64xi32, #tpu.memory_space<hbm>> -> memref<64xi32, #tpu.memory_space<hbm>>
    %dma_wait3A_68 = arith.constant 0 : i32
    %dma_wait3A_69 = tpu.memref_slice %arg6[%dma_wait3A_62, %dma_wait3A_68] : memref<4x64xi32, #tpu.memory_space<vmem>> -> memref<1x64xi32, #tpu.memory_space<vmem>>
    %dma_wait3A_70 = tpu.memref_squeeze %dma_wait3A_69 : memref<1x64xi32, #tpu.memory_space<vmem>> -> memref<64xi32, #tpu.memory_space<vmem>>
    %dma_wait3A_71 = tpu.memref_slice %arg2[%div3A_3, %dma_wait3A, %mul3A_6] : memref<16x4x128xi32, #tpu.memory_space<hbm>> -> memref<1x1x64xi32, #tpu.memory_space<hbm>>
    %dma_wait3A_72 = tpu.memref_squeeze %dma_wait3A_71 : memref<1x1x64xi32, #tpu.memory_space<hbm>> -> memref<64xi32, #tpu.memory_space<hbm>>
    tpu.wait_dma2 semaphore(%arg10 : memref<!tpu.dma_semaphore, #tpu.memory_space<semaphore_mem>>) src(%dma_wait3A_72 : memref<64xi32, #tpu.memory_space<hbm>>) dst(%dma_wait3A_70 : memref<64xi32, #tpu.memory_space<vmem>>)
    %dma_start3A_73 = arith.constant 0 : i32
    %dma_start3A_74 = arith.constant 0 : i32
    %dma_start3A_75 = arith.constant 0 : i32
    %dma_start3A_76 = arith.constant 0 : i32
    %dma_start3A_77 = tpu.memref_slice %arg7[%dma_start3A_74, %dma_start3A_75, %dma_start3A_76] : memref<4x64x128xf32, #tpu.memory_space<vmem>> -> memref<1x64x128xf32, #tpu.memory_space<vmem>>
    %dma_start3A_78 = tpu.memref_squeeze %dma_start3A_77 : memref<1x64x128xf32, #tpu.memory_space<vmem>> -> memref<64x128xf32, #tpu.memory_space<vmem>>
    %dma_start3A_79 = arith.constant 0 : i32
    %dma_start3A_80 = tpu.memref_slice %arg6[%dma_start3A_73, %dma_start3A_79] : memref<4x64xi32, #tpu.memory_space<vmem>> -> memref<1x64xi32, #tpu.memory_space<vmem>>
    %dma_start3A_81 = tpu.memref_squeeze %dma_start3A_80 : memref<1x64xi32, #tpu.memory_space<vmem>> -> memref<64xi32, #tpu.memory_space<vmem>>
    %dma_start3A_82 = arith.constant 0 : i32
    %dma_start3A_83 = arith.constant 0 : i32
    %dma_start3A_84 = tpu.memref_slice %arg3[%dma_start3A_82, %dma_start3A_83] : memref<100000x128xf32, #tpu.memory_space<hbm>> -> memref<100000x128xf32, #tpu.memory_space<hbm>>
    tpu.enqueue_indirect_dma source(%dma_start3A_84 : memref<100000x128xf32, #tpu.memory_space<hbm>>) target(%dma_start3A_78 : memref<64x128xf32, #tpu.memory_space<vmem>>) offsets(%dma_start3A_81 : memref<64xi32, #tpu.memory_space<vmem>>) semaphore(%arg10 : memref<!tpu.dma_semaphore, #tpu.memory_space<semaphore_mem>>)
    %dma_wait3A_85 = arith.constant 1 : i32
    %dma_wait3A_86 = arith.constant 1 : i32
    %dma_wait3A_87 = arith.constant 0 : i32
    %dma_wait3A_88 = tpu.memref_slice %arg6[%dma_wait3A_86, %dma_wait3A_87] : memref<4x64xi32, #tpu.memory_space<vmem>> -> memref<1x64xi32, #tpu.memory_space<vmem>>
    %dma_wait3A_89 = tpu.memref_squeeze %dma_wait3A_88 : memref<1x64xi32, #tpu.memory_space<vmem>> -> memref<64xi32, #tpu.memory_space<vmem>>
    %dma_wait3A_90 = tpu.memref_slice %arg2[%div3A_3, %dma_wait3A_85, %mul3A_6] : memref<16x4x128xi32, #tpu.memory_space<hbm>> -> memref<1x1x64xi32, #tpu.memory_space<hbm>>
    %dma_wait3A_91 = tpu.memref_squeeze %dma_wait3A_90 : memref<1x1x64xi32, #tpu.memory_space<hbm>> -> memref<64xi32, #tpu.memory_space<hbm>>
    %dma_wait3A_92 = arith.constant 0 : i32
    %dma_wait3A_93 = tpu.memref_slice %arg6[%dma_wait3A_86, %dma_wait3A_92] : memref<4x64xi32, #tpu.memory_space<vmem>> -> memref<1x64xi32, #tpu.memory_space<vmem>>
    %dma_wait3A_94 = tpu.memref_squeeze %dma_wait3A_93 : memref<1x64xi32, #tpu.memory_space<vmem>> -> memref<64xi32, #tpu.memory_space<vmem>>
    %dma_wait3A_95 = tpu.memref_slice %arg2[%div3A_3, %dma_wait3A_85, %mul3A_6] : memref<16x4x128xi32, #tpu.memory_space<hbm>> -> memref<1x1x64xi32, #tpu.memory_space<hbm>>
    %dma_wait3A_96 = tpu.memref_squeeze %dma_wait3A_95 : memref<1x1x64xi32, #tpu.memory_space<hbm>> -> memref<64xi32, #tpu.memory_space<hbm>>
    tpu.wait_dma2 semaphore(%arg10 : memref<!tpu.dma_semaphore, #tpu.memory_space<semaphore_mem>>) src(%dma_wait3A_96 : memref<64xi32, #tpu.memory_space<hbm>>) dst(%dma_wait3A_94 : memref<64xi32, #tpu.memory_space<vmem>>)
    %dma_start3A_97 = arith.constant 1 : i32
    %dma_start3A_98 = arith.constant 1 : i32
    %dma_start3A_99 = arith.constant 0 : i32
    %dma_start3A_100 = arith.constant 0 : i32
    %dma_start3A_101 = tpu.memref_slice %arg7[%dma_start3A_98, %dma_start3A_99, %dma_start3A_100] : memref<4x64x128xf32, #tpu.memory_space<vmem>> -> memref<1x64x128xf32, #tpu.memory_space<vmem>>
    %dma_start3A_102 = tpu.memref_squeeze %dma_start3A_101 : memref<1x64x128xf32, #tpu.memory_space<vmem>> -> memref<64x128xf32, #tpu.memory_space<vmem>>
    %dma_start3A_103 = arith.constant 0 : i32
    %dma_start3A_104 = tpu.memref_slice %arg6[%dma_start3A_97, %dma_start3A_103] : memref<4x64xi32, #tpu.memory_space<vmem>> -> memref<1x64xi32, #tpu.memory_space<vmem>>
    %dma_start3A_105 = tpu.memref_squeeze %dma_start3A_104 : memref<1x64xi32, #tpu.memory_space<vmem>> -> memref<64xi32, #tpu.memory_space<vmem>>
    %dma_start3A_106 = arith.constant 0 : i32
    %dma_start3A_107 = arith.constant 0 : i32
    %dma_start3A_108 = tpu.memref_slice %arg3[%dma_start3A_106, %dma_start3A_107] : memref<100000x128xf32, #tpu.memory_space<hbm>> -> memref<100000x128xf32, #tpu.memory_space<hbm>>
    tpu.enqueue_indirect_dma source(%dma_start3A_108 : memref<100000x128xf32, #tpu.memory_space<hbm>>) target(%dma_start3A_102 : memref<64x128xf32, #tpu.memory_space<vmem>>) offsets(%dma_start3A_105 : memref<64xi32, #tpu.memory_space<vmem>>) semaphore(%arg10 : memref<!tpu.dma_semaphore, #tpu.memory_space<semaphore_mem>>)
    %dma_wait3A_109 = arith.constant 2 : i32
    %dma_wait3A_110 = arith.constant 2 : i32
    %dma_wait3A_111 = arith.constant 0 : i32
    %dma_wait3A_112 = tpu.memref_slice %arg6[%dma_wait3A_110, %dma_wait3A_111] : memref<4x64xi32, #tpu.memory_space<vmem>> -> memref<1x64xi32, #tpu.memory_space<vmem>>
    %dma_wait3A_113 = tpu.memref_squeeze %dma_wait3A_112 : memref<1x64xi32, #tpu.memory_space<vmem>> -> memref<64xi32, #tpu.memory_space<vmem>>
    %dma_wait3A_114 = tpu.memref_slice %arg2[%div3A_3, %dma_wait3A_109, %mul3A_6] : memref<16x4x128xi32, #tpu.memory_space<hbm>> -> memref<1x1x64xi32, #tpu.memory_space<hbm>>
    %dma_wait3A_115 = tpu.memref_squeeze %dma_wait3A_114 : memref<1x1x64xi32, #tpu.memory_space<hbm>> -> memref<64xi32, #tpu.memory_space<hbm>>
    %dma_wait3A_116 = arith.constant 0 : i32
    %dma_wait3A_117 = tpu.memref_slice %arg6[%dma_wait3A_110, %dma_wait3A_116] : memref<4x64xi32, #tpu.memory_space<vmem>> -> memref<1x64xi32, #tpu.memory_space<vmem>>
    %dma_wait3A_118 = tpu.memref_squeeze %dma_wait3A_117 : memref<1x64xi32, #tpu.memory_space<vmem>> -> memref<64xi32, #tpu.memory_space<vmem>>
    %dma_wait3A_119 = tpu.memref_slice %arg2[%div3A_3, %dma_wait3A_109, %mul3A_6] : memref<16x4x128xi32, #tpu.memory_space<hbm>> -> memref<1x1x64xi32, #tpu.memory_space<hbm>>
    %dma_wait3A_120 = tpu.memref_squeeze %dma_wait3A_119 : memref<1x1x64xi32, #tpu.memory_space<hbm>> -> memref<64xi32, #tpu.memory_space<hbm>>
    tpu.wait_dma2 semaphore(%arg10 : memref<!tpu.dma_semaphore, #tpu.memory_space<semaphore_mem>>) src(%dma_wait3A_120 : memref<64xi32, #tpu.memory_space<hbm>>) dst(%dma_wait3A_118 : memref<64xi32, #tpu.memory_space<vmem>>)
    %dma_start3A_121 = arith.constant 2 : i32
    %dma_start3A_122 = arith.constant 2 : i32
    %dma_start3A_123 = arith.constant 0 : i32
    %dma_start3A_124 = arith.constant 0 : i32
    %dma_start3A_125 = tpu.memref_slice %arg7[%dma_start3A_122, %dma_start3A_123, %dma_start3A_124] : memref<4x64x128xf32, #tpu.memory_space<vmem>> -> memref<1x64x128xf32, #tpu.memory_space<vmem>>
    %dma_start3A_126 = tpu.memref_squeeze %dma_start3A_125 : memref<1x64x128xf32, #tpu.memory_space<vmem>> -> memref<64x128xf32, #tpu.memory_space<vmem>>
    %dma_start3A_127 = arith.constant 0 : i32
    %dma_start3A_128 = tpu.memref_slice %arg6[%dma_start3A_121, %dma_start3A_127] : memref<4x64xi32, #tpu.memory_space<vmem>> -> memref<1x64xi32, #tpu.memory_space<vmem>>
    %dma_start3A_129 = tpu.memref_squeeze %dma_start3A_128 : memref<1x64xi32, #tpu.memory_space<vmem>> -> memref<64xi32, #tpu.memory_space<vmem>>
    %dma_start3A_130 = arith.constant 0 : i32
    %dma_start3A_131 = arith.constant 0 : i32
    %dma_start3A_132 = tpu.memref_slice %arg3[%dma_start3A_130, %dma_start3A_131] : memref<100000x128xf32, #tpu.memory_space<hbm>> -> memref<100000x128xf32, #tpu.memory_space<hbm>>
    tpu.enqueue_indirect_dma source(%dma_start3A_132 : memref<100000x128xf32, #tpu.memory_space<hbm>>) target(%dma_start3A_126 : memref<64x128xf32, #tpu.memory_space<vmem>>) offsets(%dma_start3A_129 : memref<64xi32, #tpu.memory_space<vmem>>) semaphore(%arg10 : memref<!tpu.dma_semaphore, #tpu.memory_space<semaphore_mem>>)
    %dma_wait3A_133 = arith.constant 3 : i32
    %dma_wait3A_134 = arith.constant 3 : i32
    %dma_wait3A_135 = arith.constant 0 : i32
    %dma_wait3A_136 = tpu.memref_slice %arg6[%dma_wait3A_134, %dma_wait3A_135] : memref<4x64xi32, #tpu.memory_space<vmem>> -> memref<1x64xi32, #tpu.memory_space<vmem>>
    %dma_wait3A_137 = tpu.memref_squeeze %dma_wait3A_136 : memref<1x64xi32, #tpu.memory_space<vmem>> -> memref<64xi32, #tpu.memory_space<vmem>>
    %dma_wait3A_138 = tpu.memref_slice %arg2[%div3A_3, %dma_wait3A_133, %mul3A_6] : memref<16x4x128xi32, #tpu.memory_space<hbm>> -> memref<1x1x64xi32, #tpu.memory_space<hbm>>
    %dma_wait3A_139 = tpu.memref_squeeze %dma_wait3A_138 : memref<1x1x64xi32, #tpu.memory_space<hbm>> -> memref<64xi32, #tpu.memory_space<hbm>>
    %dma_wait3A_140 = arith.constant 0 : i32
    %dma_wait3A_141 = tpu.memref_slice %arg6[%dma_wait3A_134, %dma_wait3A_140] : memref<4x64xi32, #tpu.memory_space<vmem>> -> memref<1x64xi32, #tpu.memory_space<vmem>>
    %dma_wait3A_142 = tpu.memref_squeeze %dma_wait3A_141 : memref<1x64xi32, #tpu.memory_space<vmem>> -> memref<64xi32, #tpu.memory_space<vmem>>
    %dma_wait3A_143 = tpu.memref_slice %arg2[%div3A_3, %dma_wait3A_133, %mul3A_6] : memref<16x4x128xi32, #tpu.memory_space<hbm>> -> memref<1x1x64xi32, #tpu.memory_space<hbm>>
    %dma_wait3A_144 = tpu.memref_squeeze %dma_wait3A_143 : memref<1x1x64xi32, #tpu.memory_space<hbm>> -> memref<64xi32, #tpu.memory_space<hbm>>
    tpu.wait_dma2 semaphore(%arg10 : memref<!tpu.dma_semaphore, #tpu.memory_space<semaphore_mem>>) src(%dma_wait3A_144 : memref<64xi32, #tpu.memory_space<hbm>>) dst(%dma_wait3A_142 : memref<64xi32, #tpu.memory_space<vmem>>)
    %dma_start3A_145 = arith.constant 3 : i32
    %dma_start3A_146 = arith.constant 3 : i32
    %dma_start3A_147 = arith.constant 0 : i32
    %dma_start3A_148 = arith.constant 0 : i32
    %dma_start3A_149 = tpu.memref_slice %arg7[%dma_start3A_146, %dma_start3A_147, %dma_start3A_148] : memref<4x64x128xf32, #tpu.memory_space<vmem>> -> memref<1x64x128xf32, #tpu.memory_space<vmem>>
    %dma_start3A_150 = tpu.memref_squeeze %dma_start3A_149 : memref<1x64x128xf32, #tpu.memory_space<vmem>> -> memref<64x128xf32, #tpu.memory_space<vmem>>
    %dma_start3A_151 = arith.constant 0 : i32
    %dma_start3A_152 = tpu.memref_slice %arg6[%dma_start3A_145, %dma_start3A_151] : memref<4x64xi32, #tpu.memory_space<vmem>> -> memref<1x64xi32, #tpu.memory_space<vmem>>
    %dma_start3A_153 = tpu.memref_squeeze %dma_start3A_152 : memref<1x64xi32, #tpu.memory_space<vmem>> -> memref<64xi32, #tpu.memory_space<vmem>>
    %dma_start3A_154 = arith.constant 0 : i32
    %dma_start3A_155 = arith.constant 0 : i32
    %dma_start3A_156 = tpu.memref_slice %arg3[%dma_start3A_154, %dma_start3A_155] : memref<100000x128xf32, #tpu.memory_space<hbm>> -> memref<100000x128xf32, #tpu.memory_space<hbm>>
    tpu.enqueue_indirect_dma source(%dma_start3A_156 : memref<100000x128xf32, #tpu.memory_space<hbm>>) target(%dma_start3A_150 : memref<64x128xf32, #tpu.memory_space<vmem>>) offsets(%dma_start3A_153 : memref<64xi32, #tpu.memory_space<vmem>>) semaphore(%arg10 : memref<!tpu.dma_semaphore, #tpu.memory_space<semaphore_mem>>)
    %dma_wait3A_157 = arith.constant 0 : i32
    %dma_wait3A_158 = arith.constant 0 : i32
    %dma_wait3A_159 = tpu.memref_slice %arg4[%add3A, %dma_wait3A_157, %dma_wait3A_158] : memref<32x4x128xf32, #tpu.memory_space<hbm>> -> memref<1x4x128xf32, #tpu.memory_space<hbm>>
    %dma_wait3A_160 = tpu.memref_squeeze %dma_wait3A_159 : memref<1x4x128xf32, #tpu.memory_space<hbm>> -> memref<4x128xf32, #tpu.memory_space<hbm>>
    %dma_wait3A_161 = arith.constant 0 : i32
    %dma_wait3A_162 = arith.constant 0 : i32
    %dma_wait3A_163 = tpu.memref_slice %arg4[%add3A, %dma_wait3A_161, %dma_wait3A_162] : memref<32x4x128xf32, #tpu.memory_space<hbm>> -> memref<1x4x128xf32, #tpu.memory_space<hbm>>
    %dma_wait3A_164 = tpu.memref_squeeze %dma_wait3A_163 : memref<1x4x128xf32, #tpu.memory_space<hbm>> -> memref<4x128xf32, #tpu.memory_space<hbm>>
    tpu.wait_dma2 semaphore(%arg11 : memref<!tpu.dma_semaphore, #tpu.memory_space<semaphore_mem>>) src(%dma_wait3A_164 : memref<4x128xf32, #tpu.memory_space<hbm>>) dst(%arg9 : memref<4x128xf32, #tpu.memory_space<vmem>>)
    %get3A = arith.constant 0 : i32
    %get3A_165 = arith.index_cast %get3A : i32 to index
    %get3A_166 = arith.constant 0 : index
    %get3A_167 = tpu.vector_load %arg9[%get3A_165, %get3A_166] {strides = array<i32>} : memref<4x128xf32, #tpu.memory_space<vmem>>, vector<1x16xf32>,
    %get3A_168 = vector.shape_cast %get3A_167 : vector<1x16xf32> to vector<16xf32>
    %get3A_169 = arith.constant 0 : i32
    %get3A_170 = arith.index_cast %get3A_169 : i32 to index
    %get3A_171 = arith.constant 16 : index
    %get3A_172 = tpu.vector_load %arg9[%get3A_170, %get3A_171] {strides = array<i32>} : memref<4x128xf32, #tpu.memory_space<vmem>>, vector<1x16xf32>,
    %get3A_173 = vector.shape_cast %get3A_172 : vector<1x16xf32> to vector<16xf32>
    %get3A_174 = arith.constant 0 : i32
    %get3A_175 = arith.index_cast %get3A_174 : i32 to index
    %get3A_176 = arith.constant 32 : index
    %get3A_177 = tpu.vector_load %arg9[%get3A_175, %get3A_176] {strides = array<i32>} : memref<4x128xf32, #tpu.memory_space<vmem>>, vector<1x16xf32>,
    %get3A_178 = vector.shape_cast %get3A_177 : vector<1x16xf32> to vector<16xf32>
    %get3A_179 = arith.constant 0 : i32
    %get3A_180 = arith.index_cast %get3A_179 : i32 to index
    %get3A_181 = arith.constant 48 : index
    %get3A_182 = tpu.vector_load %arg9[%get3A_180, %get3A_181] {strides = array<i32>} : memref<4x128xf32, #tpu.memory_space<vmem>>, vector<1x16xf32>,
    %get3A_183 = vector.shape_cast %get3A_182 : vector<1x16xf32> to vector<16xf32>
    %get3A_184 = arith.constant 0 : i32
    %get3A_185 = arith.index_cast %get3A_184 : i32 to index
    %get3A_186 = arith.constant 64 : index
    %get3A_187 = tpu.vector_load %arg9[%get3A_185, %get3A_186] {strides = array<i32>} : memref<4x128xf32, #tpu.memory_space<vmem>>, vector<1x16xf32>,
    %get3A_188 = vector.shape_cast %get3A_187 : vector<1x16xf32> to vector<16xf32>
    %get3A_189 = arith.constant 0 : i32
    %get3A_190 = arith.index_cast %get3A_189 : i32 to index
    %get3A_191 = arith.constant 80 : index
    %get3A_192 = tpu.vector_load %arg9[%get3A_190, %get3A_191] {strides = array<i32>} : memref<4x128xf32, #tpu.memory_space<vmem>>, vector<1x16xf32>,
    %get3A_193 = vector.shape_cast %get3A_192 : vector<1x16xf32> to vector<16xf32>
    %get3A_194 = arith.constant 0 : i32
    %get3A_195 = arith.index_cast %get3A_194 : i32 to index
    %get3A_196 = arith.constant 96 : index
    %get3A_197 = tpu.vector_load %arg9[%get3A_195, %get3A_196] {strides = array<i32>} : memref<4x128xf32, #tpu.memory_space<vmem>>, vector<1x16xf32>,
    %get3A_198 = vector.shape_cast %get3A_197 : vector<1x16xf32> to vector<16xf32>
    %get3A_199 = arith.constant 0 : i32
    %get3A_200 = arith.index_cast %get3A_199 : i32 to index
    %get3A_201 = arith.constant 112 : index
    %get3A_202 = tpu.vector_load %arg9[%get3A_200, %get3A_201] {strides = array<i32>} : memref<4x128xf32, #tpu.memory_space<vmem>>, vector<1x16xf32>,
    %get3A_203 = vector.shape_cast %get3A_202 : vector<1x16xf32> to vector<16xf32>
    %get3A_204 = arith.constant 1 : i32
    %get3A_205 = arith.index_cast %get3A_204 : i32 to index
    %get3A_206 = arith.constant 0 : index
    %get3A_207 = tpu.vector_load %arg9[%get3A_205, %get3A_206] {strides = array<i32>} : memref<4x128xf32, #tpu.memory_space<vmem>>, vector<1x16xf32>,
    %get3A_208 = vector.shape_cast %get3A_207 : vector<1x16xf32> to vector<16xf32>
    %get3A_209 = arith.constant 1 : i32
    %get3A_210 = arith.index_cast %get3A_209 : i32 to index
    %get3A_211 = arith.constant 16 : index
    %get3A_212 = tpu.vector_load %arg9[%get3A_210, %get3A_211] {strides = array<i32>} : memref<4x128xf32, #tpu.memory_space<vmem>>, vector<1x16xf32>,
    %get3A_213 = vector.shape_cast %get3A_212 : vector<1x16xf32> to vector<16xf32>
    %get3A_214 = arith.constant 1 : i32
    %get3A_215 = arith.index_cast %get3A_214 : i32 to index
    %get3A_216 = arith.constant 32 : index
    %get3A_217 = tpu.vector_load %arg9[%get3A_215, %get3A_216] {strides = array<i32>} : memref<4x128xf32, #tpu.memory_space<vmem>>, vector<1x16xf32>,
    %get3A_218 = vector.shape_cast %get3A_217 : vector<1x16xf32> to vector<16xf32>
    %get3A_219 = arith.constant 1 : i32
    %get3A_220 = arith.index_cast %get3A_219 : i32 to index
    %get3A_221 = arith.constant 48 : index
    %get3A_222 = tpu.vector_load %arg9[%get3A_220, %get3A_221] {strides = array<i32>} : memref<4x128xf32, #tpu.memory_space<vmem>>, vector<1x16xf32>,
    %get3A_223 = vector.shape_cast %get3A_222 : vector<1x16xf32> to vector<16xf32>
    %get3A_224 = arith.constant 1 : i32
    %get3A_225 = arith.index_cast %get3A_224 : i32 to index
    %get3A_226 = arith.constant 64 : index
    %get3A_227 = tpu.vector_load %arg9[%get3A_225, %get3A_226] {strides = array<i32>} : memref<4x128xf32, #tpu.memory_space<vmem>>, vector<1x16xf32>,
    %get3A_228 = vector.shape_cast %get3A_227 : vector<1x16xf32> to vector<16xf32>
    %get3A_229 = arith.constant 1 : i32
    %get3A_230 = arith.index_cast %get3A_229 : i32 to index
    %get3A_231 = arith.constant 80 : index
    %get3A_232 = tpu.vector_load %arg9[%get3A_230, %get3A_231] {strides = array<i32>} : memref<4x128xf32, #tpu.memory_space<vmem>>, vector<1x16xf32>,
    %get3A_233 = vector.shape_cast %get3A_232 : vector<1x16xf32> to vector<16xf32>
    %get3A_234 = arith.constant 1 : i32
    %get3A_235 = arith.index_cast %get3A_234 : i32 to index
    %get3A_236 = arith.constant 96 : index
    %get3A_237 = tpu.vector_load %arg9[%get3A_235, %get3A_236] {strides = array<i32>} : memref<4x128xf32, #tpu.memory_space<vmem>>, vector<1x16xf32>,
    %get3A_238 = vector.shape_cast %get3A_237 : vector<1x16xf32> to vector<16xf32>
    %get3A_239 = arith.constant 1 : i32
    %get3A_240 = arith.index_cast %get3A_239 : i32 to index
    %get3A_241 = arith.constant 112 : index
    %get3A_242 = tpu.vector_load %arg9[%get3A_240, %get3A_241] {strides = array<i32>} : memref<4x128xf32, #tpu.memory_space<vmem>>, vector<1x16xf32>,
    %get3A_243 = vector.shape_cast %get3A_242 : vector<1x16xf32> to vector<16xf32>
    %get3A_244 = arith.constant 2 : i32
    %get3A_245 = arith.index_cast %get3A_244 : i32 to index
    %get3A_246 = arith.constant 0 : index
    %get3A_247 = tpu.vector_load %arg9[%get3A_245, %get3A_246] {strides = array<i32>} : memref<4x128xf32, #tpu.memory_space<vmem>>, vector<1x16xf32>,
    %get3A_248 = vector.shape_cast %get3A_247 : vector<1x16xf32> to vector<16xf32>
    %get3A_249 = arith.constant 2 : i32
    %get3A_250 = arith.index_cast %get3A_249 : i32 to index
    %get3A_251 = arith.constant 16 : index
    %get3A_252 = tpu.vector_load %arg9[%get3A_250, %get3A_251] {strides = array<i32>} : memref<4x128xf32, #tpu.memory_space<vmem>>, vector<1x16xf32>,
    %get3A_253 = vector.shape_cast %get3A_252 : vector<1x16xf32> to vector<16xf32>
    %get3A_254 = arith.constant 2 : i32
    %get3A_255 = arith.index_cast %get3A_254 : i32 to index
    %get3A_256 = arith.constant 32 : index
    %get3A_257 = tpu.vector_load %arg9[%get3A_255, %get3A_256] {strides = array<i32>} : memref<4x128xf32, #tpu.memory_space<vmem>>, vector<1x16xf32>,
    %get3A_258 = vector.shape_cast %get3A_257 : vector<1x16xf32> to vector<16xf32>
    %get3A_259 = arith.constant 2 : i32
    %get3A_260 = arith.index_cast %get3A_259 : i32 to index
    %get3A_261 = arith.constant 48 : index
    %get3A_262 = tpu.vector_load %arg9[%get3A_260, %get3A_261] {strides = array<i32>} : memref<4x128xf32, #tpu.memory_space<vmem>>, vector<1x16xf32>,
    %get3A_263 = vector.shape_cast %get3A_262 : vector<1x16xf32> to vector<16xf32>
    %get3A_264 = arith.constant 2 : i32
    %get3A_265 = arith.index_cast %get3A_264 : i32 to index
    %get3A_266 = arith.constant 64 : index
    %get3A_267 = tpu.vector_load %arg9[%get3A_265, %get3A_266] {strides = array<i32>} : memref<4x128xf32, #tpu.memory_space<vmem>>, vector<1x16xf32>,
    %get3A_268 = vector.shape_cast %get3A_267 : vector<1x16xf32> to vector<16xf32>
    %get3A_269 = arith.constant 2 : i32
    %get3A_270 = arith.index_cast %get3A_269 : i32 to index
    %get3A_271 = arith.constant 80 : index
    %get3A_272 = tpu.vector_load %arg9[%get3A_270, %get3A_271] {strides = array<i32>} : memref<4x128xf32, #tpu.memory_space<vmem>>, vector<1x16xf32>,
    %get3A_273 = vector.shape_cast %get3A_272 : vector<1x16xf32> to vector<16xf32>
    %get3A_274 = arith.constant 2 : i32
    %get3A_275 = arith.index_cast %get3A_274 : i32 to index
    %get3A_276 = arith.constant 96 : index
    %get3A_277 = tpu.vector_load %arg9[%get3A_275, %get3A_276] {strides = array<i32>} : memref<4x128xf32, #tpu.memory_space<vmem>>, vector<1x16xf32>,
    %get3A_278 = vector.shape_cast %get3A_277 : vector<1x16xf32> to vector<16xf32>
    %get3A_279 = arith.constant 2 : i32
    %get3A_280 = arith.index_cast %get3A_279 : i32 to index
    %get3A_281 = arith.constant 112 : index
    %get3A_282 = tpu.vector_load %arg9[%get3A_280, %get3A_281] {strides = array<i32>} : memref<4x128xf32, #tpu.memory_space<vmem>>, vector<1x16xf32>,
    %get3A_283 = vector.shape_cast %get3A_282 : vector<1x16xf32> to vector<16xf32>
    %get3A_284 = arith.constant 3 : i32
    %get3A_285 = arith.index_cast %get3A_284 : i32 to index
    %get3A_286 = arith.constant 0 : index
    %get3A_287 = tpu.vector_load %arg9[%get3A_285, %get3A_286] {strides = array<i32>} : memref<4x128xf32, #tpu.memory_space<vmem>>, vector<1x16xf32>,
    %get3A_288 = vector.shape_cast %get3A_287 : vector<1x16xf32> to vector<16xf32>
    %get3A_289 = arith.constant 3 : i32
    %get3A_290 = arith.index_cast %get3A_289 : i32 to index
    %get3A_291 = arith.constant 16 : index
    %get3A_292 = tpu.vector_load %arg9[%get3A_290, %get3A_291] {strides = array<i32>} : memref<4x128xf32, #tpu.memory_space<vmem>>, vector<1x16xf32>,
    %get3A_293 = vector.shape_cast %get3A_292 : vector<1x16xf32> to vector<16xf32>
    %get3A_294 = arith.constant 3 : i32
    %get3A_295 = arith.index_cast %get3A_294 : i32 to index
    %get3A_296 = arith.constant 32 : index
    %get3A_297 = tpu.vector_load %arg9[%get3A_295, %get3A_296] {strides = array<i32>} : memref<4x128xf32, #tpu.memory_space<vmem>>, vector<1x16xf32>,
    %get3A_298 = vector.shape_cast %get3A_297 : vector<1x16xf32> to vector<16xf32>
    %get3A_299 = arith.constant 3 : i32
    %get3A_300 = arith.index_cast %get3A_299 : i32 to index
    %get3A_301 = arith.constant 48 : index
    %get3A_302 = tpu.vector_load %arg9[%get3A_300, %get3A_301] {strides = array<i32>} : memref<4x128xf32, #tpu.memory_space<vmem>>, vector<1x16xf32>,
    %get3A_303 = vector.shape_cast %get3A_302 : vector<1x16xf32> to vector<16xf32>
    %get3A_304 = arith.constant 3 : i32
    %get3A_305 = arith.index_cast %get3A_304 : i32 to index
    %get3A_306 = arith.constant 64 : index
    %get3A_307 = tpu.vector_load %arg9[%get3A_305, %get3A_306] {strides = array<i32>} : memref<4x128xf32, #tpu.memory_space<vmem>>, vector<1x16xf32>,
    %get3A_308 = vector.shape_cast %get3A_307 : vector<1x16xf32> to vector<16xf32>
    %get3A_309 = arith.constant 3 : i32
    %get3A_310 = arith.index_cast %get3A_309 : i32 to index
    %get3A_311 = arith.constant 80 : index
    %get3A_312 = tpu.vector_load %arg9[%get3A_310, %get3A_311] {strides = array<i32>} : memref<4x128xf32, #tpu.memory_space<vmem>>, vector<1x16xf32>,
    %get3A_313 = vector.shape_cast %get3A_312 : vector<1x16xf32> to vector<16xf32>
    %get3A_314 = arith.constant 3 : i32
    %get3A_315 = arith.index_cast %get3A_314 : i32 to index
    %get3A_316 = arith.constant 96 : index
    %get3A_317 = tpu.vector_load %arg9[%get3A_315, %get3A_316] {strides = array<i32>} : memref<4x128xf32, #tpu.memory_space<vmem>>, vector<1x16xf32>,
    %get3A_318 = vector.shape_cast %get3A_317 : vector<1x16xf32> to vector<16xf32>
    %get3A_319 = arith.constant 3 : i32
    %get3A_320 = arith.index_cast %get3A_319 : i32 to index
    %get3A_321 = arith.constant 112 : index
    %get3A_322 = tpu.vector_load %arg9[%get3A_320, %get3A_321] {strides = array<i32>} : memref<4x128xf32, #tpu.memory_space<vmem>>, vector<1x16xf32>,
    %get3A_323 = vector.shape_cast %get3A_322 : vector<1x16xf32> to vector<16xf32>
    %scan3A = arith.constant 0 : i32
    %scan3A_324 = arith.constant 64 : i32
    %scan3A_325 = arith.addi %scan3A, %scan3A_324 : i32
    %scan3A_326 = arith.constant 1 : i32
    %scan3A_327:16 = scf.for %scan3A_577 = %scan3A to %scan3A_325 step %scan3A_326 iter_args(%scan3A_578 = %get3A_168, %scan3A_579 = %get3A_173, %scan3A_580 = %get3A_178, %scan3A_581 = %get3A_183, %scan3A_582 = %get3A_188, %scan3A_583 = %get3A_193, %scan3A_584 = %get3A_198, %scan3A_585 = %get3A_203, %scan3A_586 = %get3A_208, %scan3A_587 = %get3A_213, %scan3A_588 = %get3A_218, %scan3A_589 = %get3A_223, %scan3A_590 = %get3A_228, %scan3A_591 = %get3A_233, %scan3A_592 = %get3A_238, %scan3A_593 = %get3A_243) -> (vector<16xf32>, vector<16xf32>, vector<16xf32>, vector<16xf32>, vector<16xf32>, vector<16xf32>, vector<16xf32>, vector<16xf32>, vector<16xf32>, vector<16xf32>, vector<16xf32>, vector<16xf32>, vector<16xf32>, vector<16xf32>, vector<16xf32>, vector<16xf32>)  : i32 {
      %swap3A = arith.index_cast %scan3A_577 : i32 to index
      %swap3A_594 = arith.constant 0 : index
      %swap3A_595 = tpu.vector_load %arg8[%swap3A, %swap3A_594] {strides = array<i32>} : memref<64x128xf32, #tpu.memory_space<vmem>>, vector<1x16xf32>,
      %swap3A_596 = vector.shape_cast %swap3A_595 : vector<1x16xf32> to vector<16xf32>
      %swap3A_597 = vector.shape_cast %scan3A_578 : vector<16xf32> to vector<1x16xf32>
      tpu.vector_store %arg8[%swap3A, %swap3A_594], %swap3A_597 {strides = array<i32>} : memref<64x128xf32, #tpu.memory_space<vmem>>, vector<1x16xf32>,
      %swap3A_598 = arith.index_cast %scan3A_577 : i32 to index
      %swap3A_599 = arith.constant 16 : index
      %swap3A_600 = tpu.vector_load %arg8[%swap3A_598, %swap3A_599] {strides = array<i32>} : memref<64x128xf32, #tpu.memory_space<vmem>>, vector<1x16xf32>,
      %swap3A_601 = vector.shape_cast %swap3A_600 : vector<1x16xf32> to vector<16xf32>
      %swap3A_602 = vector.shape_cast %scan3A_579 : vector<16xf32> to vector<1x16xf32>
      tpu.vector_store %arg8[%swap3A_598, %swap3A_599], %swap3A_602 {strides = array<i32>} : memref<64x128xf32, #tpu.memory_space<vmem>>, vector<1x16xf32>,
      %swap3A_603 = arith.index_cast %scan3A_577 : i32 to index
      %swap3A_604 = arith.constant 32 : index
      %swap3A_605 = tpu.vector_load %arg8[%swap3A_603, %swap3A_604] {strides = array<i32>} : memref<64x128xf32, #tpu.memory_space<vmem>>, vector<1x16xf32>,
      %swap3A_606 = vector.shape_cast %swap3A_605 : vector<1x16xf32> to vector<16xf32>
      %swap3A_607 = vector.shape_cast %scan3A_580 : vector<16xf32> to vector<1x16xf32>
      tpu.vector_store %arg8[%swap3A_603, %swap3A_604], %swap3A_607 {strides = array<i32>} : memref<64x128xf32, #tpu.memory_space<vmem>>, vector<1x16xf32>,
      %swap3A_608 = arith.index_cast %scan3A_577 : i32 to index
      %swap3A_609 = arith.constant 48 : index
      %swap3A_610 = tpu.vector_load %arg8[%swap3A_608, %swap3A_609] {strides = array<i32>} : memref<64x128xf32, #tpu.memory_space<vmem>>, vector<1x16xf32>,
      %swap3A_611 = vector.shape_cast %swap3A_610 : vector<1x16xf32> to vector<16xf32>
      %swap3A_612 = vector.shape_cast %scan3A_581 : vector<16xf32> to vector<1x16xf32>
      tpu.vector_store %arg8[%swap3A_608, %swap3A_609], %swap3A_612 {strides = array<i32>} : memref<64x128xf32, #tpu.memory_space<vmem>>, vector<1x16xf32>,
      %swap3A_613 = arith.index_cast %scan3A_577 : i32 to index
      %swap3A_614 = arith.constant 64 : index
      %swap3A_615 = tpu.vector_load %arg8[%swap3A_613, %swap3A_614] {strides = array<i32>} : memref<64x128xf32, #tpu.memory_space<vmem>>, vector<1x16xf32>,
      %swap3A_616 = vector.shape_cast %swap3A_615 : vector<1x16xf32> to vector<16xf32>
      %swap3A_617 = vector.shape_cast %scan3A_590 : vector<16xf32> to vector<1x16xf32>
      tpu.vector_store %arg8[%swap3A_613, %swap3A_614], %swap3A_617 {strides = array<i32>} : memref<64x128xf32, #tpu.memory_space<vmem>>, vector<1x16xf32>,
      %swap3A_618 = arith.index_cast %scan3A_577 : i32 to index
      %swap3A_619 = arith.constant 80 : index
      %swap3A_620 = tpu.vector_load %arg8[%swap3A_618, %swap3A_619] {strides = array<i32>} : memref<64x128xf32, #tpu.memory_space<vmem>>, vector<1x16xf32>,
      %swap3A_621 = vector.shape_cast %swap3A_620 : vector<1x16xf32> to vector<16xf32>
      %swap3A_622 = vector.shape_cast %scan3A_591 : vector<16xf32> to vector<1x16xf32>
      tpu.vector_store %arg8[%swap3A_618, %swap3A_619], %swap3A_622 {strides = array<i32>} : memref<64x128xf32, #tpu.memory_space<vmem>>, vector<1x16xf32>,
      %swap3A_623 = arith.index_cast %scan3A_577 : i32 to index
      %swap3A_624 = arith.constant 96 : index
      %swap3A_625 = tpu.vector_load %arg8[%swap3A_623, %swap3A_624] {strides = array<i32>} : memref<64x128xf32, #tpu.memory_space<vmem>>, vector<1x16xf32>,
      %swap3A_626 = vector.shape_cast %swap3A_625 : vector<1x16xf32> to vector<16xf32>
      %swap3A_627 = vector.shape_cast %scan3A_592 : vector<16xf32> to vector<1x16xf32>
      tpu.vector_store %arg8[%swap3A_623, %swap3A_624], %swap3A_627 {strides = array<i32>} : memref<64x128xf32, #tpu.memory_space<vmem>>, vector<1x16xf32>,
      %swap3A_628 = arith.index_cast %scan3A_577 : i32 to index
      %swap3A_629 = arith.constant 112 : index
      %swap3A_630 = tpu.vector_load %arg8[%swap3A_628, %swap3A_629] {strides = array<i32>} : memref<64x128xf32, #tpu.memory_space<vmem>>, vector<1x16xf32>,
      %swap3A_631 = vector.shape_cast %swap3A_630 : vector<1x16xf32> to vector<16xf32>
      %swap3A_632 = vector.shape_cast %scan3A_593 : vector<16xf32> to vector<1x16xf32>
      tpu.vector_store %arg8[%swap3A_628, %swap3A_629], %swap3A_632 {strides = array<i32>} : memref<64x128xf32, #tpu.memory_space<vmem>>, vector<1x16xf32>,
      %mul3A_633 = arith.mulf %scan3A_578, %get3A_248 : vector<16xf32>
      %mul3A_634 = arith.mulf %scan3A_586, %get3A_288 : vector<16xf32>
      %add3A_635 = arith.addf %mul3A_633, %mul3A_634 : vector<16xf32>
      %mul3A_636 = arith.mulf %scan3A_579, %get3A_253 : vector<16xf32>
      %mul3A_637 = arith.mulf %scan3A_587, %get3A_293 : vector<16xf32>
      %add3A_638 = arith.addf %mul3A_636, %mul3A_637 : vector<16xf32>
      %mul3A_639 = arith.mulf %scan3A_580, %get3A_258 : vector<16xf32>
      %mul3A_640 = arith.mulf %scan3A_588, %get3A_298 : vector<16xf32>
      %add3A_641 = arith.addf %mul3A_639, %mul3A_640 : vector<16xf32>
      %mul3A_642 = arith.mulf %scan3A_581, %get3A_263 : vector<16xf32>
      %mul3A_643 = arith.mulf %scan3A_589, %get3A_303 : vector<16xf32>
      %add3A_644 = arith.addf %mul3A_642, %mul3A_643 : vector<16xf32>
      %mul3A_645 = arith.mulf %scan3A_582, %get3A_268 : vector<16xf32>
      %mul3A_646 = arith.mulf %scan3A_590, %get3A_308 : vector<16xf32>
      %add3A_647 = arith.addf %mul3A_645, %mul3A_646 : vector<16xf32>
      %mul3A_648 = arith.mulf %scan3A_583, %get3A_273 : vector<16xf32>
      %mul3A_649 = arith.mulf %scan3A_591, %get3A_313 : vector<16xf32>
      %add3A_650 = arith.addf %mul3A_648, %mul3A_649 : vector<16xf32>
      %mul3A_651 = arith.mulf %scan3A_584, %get3A_278 : vector<16xf32>
      %mul3A_652 = arith.mulf %scan3A_592, %get3A_318 : vector<16xf32>
      %add3A_653 = arith.addf %mul3A_651, %mul3A_652 : vector<16xf32>
      %mul3A_654 = arith.mulf %scan3A_585, %get3A_283 : vector<16xf32>
      %mul3A_655 = arith.mulf %scan3A_593, %get3A_323 : vector<16xf32>
      %add3A_656 = arith.addf %mul3A_654, %mul3A_655 : vector<16xf32>
      %mul3A_657 = arith.mulf %scan3A_586, %get3A_248 : vector<16xf32>
      %mul3A_658 = arith.mulf %scan3A_578, %get3A_288 : vector<16xf32>
      %sub3A = arith.subf %mul3A_657, %mul3A_658 : vector<16xf32>
      %mul3A_659 = arith.mulf %scan3A_587, %get3A_253 : vector<16xf32>
      %mul3A_660 = arith.mulf %scan3A_579, %get3A_293 : vector<16xf32>
      %sub3A_661 = arith.subf %mul3A_659, %mul3A_660 : vector<16xf32>
      %mul3A_662 = arith.mulf %scan3A_588, %get3A_258 : vector<16xf32>
      %mul3A_663 = arith.mulf %scan3A_580, %get3A_298 : vector<16xf32>
      %sub3A_664 = arith.subf %mul3A_662, %mul3A_663 : vector<16xf32>
      %mul3A_665 = arith.mulf %scan3A_589, %get3A_263 : vector<16xf32>
      %mul3A_666 = arith.mulf %scan3A_581, %get3A_303 : vector<16xf32>
      %sub3A_667 = arith.subf %mul3A_665, %mul3A_666 : vector<16xf32>
      %mul3A_668 = arith.mulf %scan3A_590, %get3A_268 : vector<16xf32>
      %mul3A_669 = arith.mulf %scan3A_582, %get3A_308 : vector<16xf32>
      %sub3A_670 = arith.subf %mul3A_668, %mul3A_669 : vector<16xf32>
      %mul3A_671 = arith.mulf %scan3A_591, %get3A_273 : vector<16xf32>
      %mul3A_672 = arith.mulf %scan3A_583, %get3A_313 : vector<16xf32>
      %sub3A_673 = arith.subf %mul3A_671, %mul3A_672 : vector<16xf32>
      %mul3A_674 = arith.mulf %scan3A_592, %get3A_278 : vector<16xf32>
      %mul3A_675 = arith.mulf %scan3A_584, %get3A_318 : vector<16xf32>
      %sub3A_676 = arith.subf %mul3A_674, %mul3A_675 : vector<16xf32>
      %mul3A_677 = arith.mulf %scan3A_593, %get3A_283 : vector<16xf32>
      %mul3A_678 = arith.mulf %scan3A_585, %get3A_323 : vector<16xf32>
      %sub3A_679 = arith.subf %mul3A_677, %mul3A_678 : vector<16xf32>
      scf.yield %add3A_635, %add3A_638, %add3A_641, %add3A_644, %add3A_647, %add3A_650, %add3A_653, %add3A_656, %sub3A, %sub3A_661, %sub3A_664, %sub3A_667, %sub3A_670, %sub3A_673, %sub3A_676, %sub3A_679 : vector<16xf32>, vector<16xf32>, vector<16xf32>, vector<16xf32>, vector<16xf32>, vector<16xf32>, vector<16xf32>, vector<16xf32>, vector<16xf32>, vector<16xf32>, vector<16xf32>, vector<16xf32>, vector<16xf32>, vector<16xf32>, vector<16xf32>, vector<16xf32>
    }
    %scan3A_328 = arith.constant 64 : i32
    %dma_wait3A_329 = arith.constant 0 : i32
    %dma_wait3A_330 = arith.constant 0 : i32
    %dma_wait3A_331 = arith.constant 0 : i32
    %dma_wait3A_332 = arith.constant 0 : i32
    %dma_wait3A_333 = tpu.memref_slice %arg7[%dma_wait3A_330, %dma_wait3A_331, %dma_wait3A_332] : memref<4x64x128xf32, #tpu.memory_space<vmem>> -> memref<1x64x128xf32, #tpu.memory_space<vmem>>
    %dma_wait3A_334 = tpu.memref_squeeze %dma_wait3A_333 : memref<1x64x128xf32, #tpu.memory_space<vmem>> -> memref<64x128xf32, #tpu.memory_space<vmem>>
    %dma_wait3A_335 = arith.constant 0 : i32
    %dma_wait3A_336 = tpu.memref_slice %arg6[%dma_wait3A_329, %dma_wait3A_335] : memref<4x64xi32, #tpu.memory_space<vmem>> -> memref<1x64xi32, #tpu.memory_space<vmem>>
    %dma_wait3A_337 = tpu.memref_squeeze %dma_wait3A_336 : memref<1x64xi32, #tpu.memory_space<vmem>> -> memref<64xi32, #tpu.memory_space<vmem>>
    %dma_wait3A_338 = arith.constant 0 : i32
    %dma_wait3A_339 = arith.constant 0 : i32
    %dma_wait3A_340 = tpu.memref_slice %arg3[%dma_wait3A_338, %dma_wait3A_339] : memref<100000x128xf32, #tpu.memory_space<hbm>> -> memref<100000x128xf32, #tpu.memory_space<hbm>>
    tpu.wait_indirect_dma semaphore(%arg10 : memref<!tpu.dma_semaphore, #tpu.memory_space<semaphore_mem>>) src(%dma_wait3A_340 : memref<100000x128xf32, #tpu.memory_space<hbm>>) dst(%dma_wait3A_334 : memref<64x128xf32, #tpu.memory_space<vmem>>)
    %scan3A_341 = arith.constant 0 : i32
    %scan3A_342 = arith.constant 0 : i32
    %scan3A_343 = arith.constant 64 : i32
    %scan3A_344 = arith.addi %scan3A_342, %scan3A_343 : i32
    %scan3A_345 = arith.constant 1 : i32
    scf.for %scan3A_577 = %scan3A_342 to %scan3A_344 step %scan3A_345  : i32 {
      %get3A_578 = arith.constant 0 : i32
      %get3A_579 = arith.index_cast %get3A_578 : i32 to index
      %get3A_580 = arith.index_cast %scan3A_577 : i32 to index
      %get3A_581 = arith.constant 0 : index
      %get3A_582 = tpu.vector_load %arg7[%get3A_579, %get3A_580, %get3A_581] {strides = array<i32>} : memref<4x64x128xf32, #tpu.memory_space<vmem>>, vector<1x1x16xf32>,
      %get3A_583 = vector.shape_cast %get3A_582 : vector<1x1x16xf32> to vector<16xf32>
      %mul3A_584 = arith.constant 11.3137083 : f32
      %mul3A_585 = vector.broadcast %mul3A_584 : f32 to vector<16xf32>
      %mul3A_586 = arith.mulf %get3A_583, %mul3A_585 : vector<16xf32>
      %get3A_587 = arith.index_cast %scan3A_577 : i32 to index
      %get3A_588 = arith.constant 0 : index
      %get3A_589 = tpu.vector_load %arg8[%get3A_587, %get3A_588] {strides = array<i32>} : memref<64x128xf32, #tpu.memory_space<vmem>>, vector<1x16xf32>,
      %get3A_590 = vector.shape_cast %get3A_589 : vector<1x16xf32> to vector<16xf32>
      %add3A_591 = arith.addf %mul3A_586, %get3A_590 : vector<16xf32>
      %swap3A = arith.constant 0 : i32
      %swap3A_592 = arith.index_cast %swap3A : i32 to index
      %swap3A_593 = arith.index_cast %scan3A_577 : i32 to index
      %swap3A_594 = arith.constant 0 : index
      %swap3A_595 = tpu.vector_load %arg7[%swap3A_592, %swap3A_593, %swap3A_594] {strides = array<i32>} : memref<4x64x128xf32, #tpu.memory_space<vmem>>, vector<1x1x16xf32>,
      %swap3A_596 = vector.shape_cast %swap3A_595 : vector<1x1x16xf32> to vector<16xf32>
      %swap3A_597 = vector.shape_cast %add3A_591 : vector<16xf32> to vector<1x1x16xf32>
      tpu.vector_store %arg7[%swap3A_592, %swap3A_593, %swap3A_594], %swap3A_597 {strides = array<i32>} : memref<4x64x128xf32, #tpu.memory_space<vmem>>, vector<1x1x16xf32>,
      %get3A_598 = arith.constant 0 : i32
      %get3A_599 = arith.index_cast %get3A_598 : i32 to index
      %get3A_600 = arith.index_cast %scan3A_577 : i32 to index
      %get3A_601 = arith.constant 16 : index
      %get3A_602 = tpu.vector_load %arg7[%get3A_599, %get3A_600, %get3A_601] {strides = array<i32>} : memref<4x64x128xf32, #tpu.memory_space<vmem>>, vector<1x1x16xf32>,
      %get3A_603 = vector.shape_cast %get3A_602 : vector<1x1x16xf32> to vector<16xf32>
      %mul3A_604 = arith.constant 11.3137083 : f32
      %mul3A_605 = vector.broadcast %mul3A_604 : f32 to vector<16xf32>
      %mul3A_606 = arith.mulf %get3A_603, %mul3A_605 : vector<16xf32>
      %get3A_607 = arith.index_cast %scan3A_577 : i32 to index
      %get3A_608 = arith.constant 16 : index
      %get3A_609 = tpu.vector_load %arg8[%get3A_607, %get3A_608] {strides = array<i32>} : memref<64x128xf32, #tpu.memory_space<vmem>>, vector<1x16xf32>,
      %get3A_610 = vector.shape_cast %get3A_609 : vector<1x16xf32> to vector<16xf32>
      %add3A_611 = arith.addf %mul3A_606, %get3A_610 : vector<16xf32>
      %swap3A_612 = arith.constant 0 : i32
      %swap3A_613 = arith.index_cast %swap3A_612 : i32 to index
      %swap3A_614 = arith.index_cast %scan3A_577 : i32 to index
      %swap3A_615 = arith.constant 16 : index
      %swap3A_616 = tpu.vector_load %arg7[%swap3A_613, %swap3A_614, %swap3A_615] {strides = array<i32>} : memref<4x64x128xf32, #tpu.memory_space<vmem>>, vector<1x1x16xf32>,
      %swap3A_617 = vector.shape_cast %swap3A_616 : vector<1x1x16xf32> to vector<16xf32>
      %swap3A_618 = vector.shape_cast %add3A_611 : vector<16xf32> to vector<1x1x16xf32>
      tpu.vector_store %arg7[%swap3A_613, %swap3A_614, %swap3A_615], %swap3A_618 {strides = array<i32>} : memref<4x64x128xf32, #tpu.memory_space<vmem>>, vector<1x1x16xf32>,
      %get3A_619 = arith.constant 0 : i32
      %get3A_620 = arith.index_cast %get3A_619 : i32 to index
      %get3A_621 = arith.index_cast %scan3A_577 : i32 to index
      %get3A_622 = arith.constant 32 : index
      %get3A_623 = tpu.vector_load %arg7[%get3A_620, %get3A_621, %get3A_622] {strides = array<i32>} : memref<4x64x128xf32, #tpu.memory_space<vmem>>, vector<1x1x16xf32>,
      %get3A_624 = vector.shape_cast %get3A_623 : vector<1x1x16xf32> to vector<16xf32>
      %mul3A_625 = arith.constant 11.3137083 : f32
      %mul3A_626 = vector.broadcast %mul3A_625 : f32 to vector<16xf32>
      %mul3A_627 = arith.mulf %get3A_624, %mul3A_626 : vector<16xf32>
      %get3A_628 = arith.index_cast %scan3A_577 : i32 to index
      %get3A_629 = arith.constant 32 : index
      %get3A_630 = tpu.vector_load %arg8[%get3A_628, %get3A_629] {strides = array<i32>} : memref<64x128xf32, #tpu.memory_space<vmem>>, vector<1x16xf32>,
      %get3A_631 = vector.shape_cast %get3A_630 : vector<1x16xf32> to vector<16xf32>
      %add3A_632 = arith.addf %mul3A_627, %get3A_631 : vector<16xf32>
      %swap3A_633 = arith.constant 0 : i32
      %swap3A_634 = arith.index_cast %swap3A_633 : i32 to index
      %swap3A_635 = arith.index_cast %scan3A_577 : i32 to index
      %swap3A_636 = arith.constant 32 : index
      %swap3A_637 = tpu.vector_load %arg7[%swap3A_634, %swap3A_635, %swap3A_636] {strides = array<i32>} : memref<4x64x128xf32, #tpu.memory_space<vmem>>, vector<1x1x16xf32>,
      %swap3A_638 = vector.shape_cast %swap3A_637 : vector<1x1x16xf32> to vector<16xf32>
      %swap3A_639 = vector.shape_cast %add3A_632 : vector<16xf32> to vector<1x1x16xf32>
      tpu.vector_store %arg7[%swap3A_634, %swap3A_635, %swap3A_636], %swap3A_639 {strides = array<i32>} : memref<4x64x128xf32, #tpu.memory_space<vmem>>, vector<1x1x16xf32>,
      %get3A_640 = arith.constant 0 : i32
      %get3A_641 = arith.index_cast %get3A_640 : i32 to index
      %get3A_642 = arith.index_cast %scan3A_577 : i32 to index
      %get3A_643 = arith.constant 48 : index
      %get3A_644 = tpu.vector_load %arg7[%get3A_641, %get3A_642, %get3A_643] {strides = array<i32>} : memref<4x64x128xf32, #tpu.memory_space<vmem>>, vector<1x1x16xf32>,
      %get3A_645 = vector.shape_cast %get3A_644 : vector<1x1x16xf32> to vector<16xf32>
      %mul3A_646 = arith.constant 11.3137083 : f32
      %mul3A_647 = vector.broadcast %mul3A_646 : f32 to vector<16xf32>
      %mul3A_648 = arith.mulf %get3A_645, %mul3A_647 : vector<16xf32>
      %get3A_649 = arith.index_cast %scan3A_577 : i32 to index
      %get3A_650 = arith.constant 48 : index
      %get3A_651 = tpu.vector_load %arg8[%get3A_649, %get3A_650] {strides = array<i32>} : memref<64x128xf32, #tpu.memory_space<vmem>>, vector<1x16xf32>,
      %get3A_652 = vector.shape_cast %get3A_651 : vector<1x16xf32> to vector<16xf32>
      %add3A_653 = arith.addf %mul3A_648, %get3A_652 : vector<16xf32>
      %swap3A_654 = arith.constant 0 : i32
      %swap3A_655 = arith.index_cast %swap3A_654 : i32 to index
      %swap3A_656 = arith.index_cast %scan3A_577 : i32 to index
      %swap3A_657 = arith.constant 48 : index
      %swap3A_658 = tpu.vector_load %arg7[%swap3A_655, %swap3A_656, %swap3A_657] {strides = array<i32>} : memref<4x64x128xf32, #tpu.memory_space<vmem>>, vector<1x1x16xf32>,
      %swap3A_659 = vector.shape_cast %swap3A_658 : vector<1x1x16xf32> to vector<16xf32>
      %swap3A_660 = vector.shape_cast %add3A_653 : vector<16xf32> to vector<1x1x16xf32>
      tpu.vector_store %arg7[%swap3A_655, %swap3A_656, %swap3A_657], %swap3A_660 {strides = array<i32>} : memref<4x64x128xf32, #tpu.memory_space<vmem>>, vector<1x1x16xf32>,
      %get3A_661 = arith.constant 0 : i32
      %get3A_662 = arith.index_cast %get3A_661 : i32 to index
      %get3A_663 = arith.index_cast %scan3A_577 : i32 to index
      %get3A_664 = arith.constant 64 : index
      %get3A_665 = tpu.vector_load %arg7[%get3A_662, %get3A_663, %get3A_664] {strides = array<i32>} : memref<4x64x128xf32, #tpu.memory_space<vmem>>, vector<1x1x16xf32>,
      %get3A_666 = vector.shape_cast %get3A_665 : vector<1x1x16xf32> to vector<16xf32>
      %mul3A_667 = arith.constant 11.3137083 : f32
      %mul3A_668 = vector.broadcast %mul3A_667 : f32 to vector<16xf32>
      %mul3A_669 = arith.mulf %get3A_666, %mul3A_668 : vector<16xf32>
      %get3A_670 = arith.index_cast %scan3A_577 : i32 to index
      %get3A_671 = arith.constant 64 : index
      %get3A_672 = tpu.vector_load %arg8[%get3A_670, %get3A_671] {strides = array<i32>} : memref<64x128xf32, #tpu.memory_space<vmem>>, vector<1x16xf32>,
      %get3A_673 = vector.shape_cast %get3A_672 : vector<1x16xf32> to vector<16xf32>
      %add3A_674 = arith.addf %mul3A_669, %get3A_673 : vector<16xf32>
      %swap3A_675 = arith.constant 0 : i32
      %swap3A_676 = arith.index_cast %swap3A_675 : i32 to index
      %swap3A_677 = arith.index_cast %scan3A_577 : i32 to index
      %swap3A_678 = arith.constant 64 : index
      %swap3A_679 = tpu.vector_load %arg7[%swap3A_676, %swap3A_677, %swap3A_678] {strides = array<i32>} : memref<4x64x128xf32, #tpu.memory_space<vmem>>, vector<1x1x16xf32>,
      %swap3A_680 = vector.shape_cast %swap3A_679 : vector<1x1x16xf32> to vector<16xf32>
      %swap3A_681 = vector.shape_cast %add3A_674 : vector<16xf32> to vector<1x1x16xf32>
      tpu.vector_store %arg7[%swap3A_676, %swap3A_677, %swap3A_678], %swap3A_681 {strides = array<i32>} : memref<4x64x128xf32, #tpu.memory_space<vmem>>, vector<1x1x16xf32>,
      %get3A_682 = arith.constant 0 : i32
      %get3A_683 = arith.index_cast %get3A_682 : i32 to index
      %get3A_684 = arith.index_cast %scan3A_577 : i32 to index
      %get3A_685 = arith.constant 80 : index
      %get3A_686 = tpu.vector_load %arg7[%get3A_683, %get3A_684, %get3A_685] {strides = array<i32>} : memref<4x64x128xf32, #tpu.memory_space<vmem>>, vector<1x1x16xf32>,
      %get3A_687 = vector.shape_cast %get3A_686 : vector<1x1x16xf32> to vector<16xf32>
      %mul3A_688 = arith.constant 11.3137083 : f32
      %mul3A_689 = vector.broadcast %mul3A_688 : f32 to vector<16xf32>
      %mul3A_690 = arith.mulf %get3A_687, %mul3A_689 : vector<16xf32>
      %get3A_691 = arith.index_cast %scan3A_577 : i32 to index
      %get3A_692 = arith.constant 80 : index
      %get3A_693 = tpu.vector_load %arg8[%get3A_691, %get3A_692] {strides = array<i32>} : memref<64x128xf32, #tpu.memory_space<vmem>>, vector<1x16xf32>,
      %get3A_694 = vector.shape_cast %get3A_693 : vector<1x16xf32> to vector<16xf32>
      %add3A_695 = arith.addf %mul3A_690, %get3A_694 : vector<16xf32>
      %swap3A_696 = arith.constant 0 : i32
      %swap3A_697 = arith.index_cast %swap3A_696 : i32 to index
      %swap3A_698 = arith.index_cast %scan3A_577 : i32 to index
      %swap3A_699 = arith.constant 80 : index
      %swap3A_700 = tpu.vector_load %arg7[%swap3A_697, %swap3A_698, %swap3A_699] {strides = array<i32>} : memref<4x64x128xf32, #tpu.memory_space<vmem>>, vector<1x1x16xf32>,
      %swap3A_701 = vector.shape_cast %swap3A_700 : vector<1x1x16xf32> to vector<16xf32>
      %swap3A_702 = vector.shape_cast %add3A_695 : vector<16xf32> to vector<1x1x16xf32>
      tpu.vector_store %arg7[%swap3A_697, %swap3A_698, %swap3A_699], %swap3A_702 {strides = array<i32>} : memref<4x64x128xf32, #tpu.memory_space<vmem>>, vector<1x1x16xf32>,
      %get3A_703 = arith.constant 0 : i32
      %get3A_704 = arith.index_cast %get3A_703 : i32 to index
      %get3A_705 = arith.index_cast %scan3A_577 : i32 to index
      %get3A_706 = arith.constant 96 : index
      %get3A_707 = tpu.vector_load %arg7[%get3A_704, %get3A_705, %get3A_706] {strides = array<i32>} : memref<4x64x128xf32, #tpu.memory_space<vmem>>, vector<1x1x16xf32>,
      %get3A_708 = vector.shape_cast %get3A_707 : vector<1x1x16xf32> to vector<16xf32>
      %mul3A_709 = arith.constant 11.3137083 : f32
      %mul3A_710 = vector.broadcast %mul3A_709 : f32 to vector<16xf32>
      %mul3A_711 = arith.mulf %get3A_708, %mul3A_710 : vector<16xf32>
      %get3A_712 = arith.index_cast %scan3A_577 : i32 to index
      %get3A_713 = arith.constant 96 : index
      %get3A_714 = tpu.vector_load %arg8[%get3A_712, %get3A_713] {strides = array<i32>} : memref<64x128xf32, #tpu.memory_space<vmem>>, vector<1x16xf32>,
      %get3A_715 = vector.shape_cast %get3A_714 : vector<1x16xf32> to vector<16xf32>
      %add3A_716 = arith.addf %mul3A_711, %get3A_715 : vector<16xf32>
      %swap3A_717 = arith.constant 0 : i32
      %swap3A_718 = arith.index_cast %swap3A_717 : i32 to index
      %swap3A_719 = arith.index_cast %scan3A_577 : i32 to index
      %swap3A_720 = arith.constant 96 : index
      %swap3A_721 = tpu.vector_load %arg7[%swap3A_718, %swap3A_719, %swap3A_720] {strides = array<i32>} : memref<4x64x128xf32, #tpu.memory_space<vmem>>, vector<1x1x16xf32>,
      %swap3A_722 = vector.shape_cast %swap3A_721 : vector<1x1x16xf32> to vector<16xf32>
      %swap3A_723 = vector.shape_cast %add3A_716 : vector<16xf32> to vector<1x1x16xf32>
      tpu.vector_store %arg7[%swap3A_718, %swap3A_719, %swap3A_720], %swap3A_723 {strides = array<i32>} : memref<4x64x128xf32, #tpu.memory_space<vmem>>, vector<1x1x16xf32>,
      %get3A_724 = arith.constant 0 : i32
      %get3A_725 = arith.index_cast %get3A_724 : i32 to index
      %get3A_726 = arith.index_cast %scan3A_577 : i32 to index
      %get3A_727 = arith.constant 112 : index
      %get3A_728 = tpu.vector_load %arg7[%get3A_725, %get3A_726, %get3A_727] {strides = array<i32>} : memref<4x64x128xf32, #tpu.memory_space<vmem>>, vector<1x1x16xf32>,
      %get3A_729 = vector.shape_cast %get3A_728 : vector<1x1x16xf32> to vector<16xf32>
      %mul3A_730 = arith.constant 11.3137083 : f32
      %mul3A_731 = vector.broadcast %mul3A_730 : f32 to vector<16xf32>
      %mul3A_732 = arith.mulf %get3A_729, %mul3A_731 : vector<16xf32>
      %get3A_733 = arith.index_cast %scan3A_577 : i32 to index
      %get3A_734 = arith.constant 112 : index
      %get3A_735 = tpu.vector_load %arg8[%get3A_733, %get3A_734] {strides = array<i32>} : memref<64x128xf32, #tpu.memory_space<vmem>>, vector<1x16xf32>,
      %get3A_736 = vector.shape_cast %get3A_735 : vector<1x16xf32> to vector<16xf32>
      %add3A_737 = arith.addf %mul3A_732, %get3A_736 : vector<16xf32>
      %swap3A_738 = arith.constant 0 : i32
      %swap3A_739 = arith.index_cast %swap3A_738 : i32 to index
      %swap3A_740 = arith.index_cast %scan3A_577 : i32 to index
      %swap3A_741 = arith.constant 112 : index
      %swap3A_742 = tpu.vector_load %arg7[%swap3A_739, %swap3A_740, %swap3A_741] {strides = array<i32>} : memref<4x64x128xf32, #tpu.memory_space<vmem>>, vector<1x1x16xf32>,
      %swap3A_743 = vector.shape_cast %swap3A_742 : vector<1x1x16xf32> to vector<16xf32>
      %swap3A_744 = vector.shape_cast %add3A_737 : vector<16xf32> to vector<1x1x16xf32>
      tpu.vector_store %arg7[%swap3A_739, %swap3A_740, %swap3A_741], %swap3A_744 {strides = array<i32>} : memref<4x64x128xf32, #tpu.memory_space<vmem>>, vector<1x1x16xf32>,
    }
    %scan3A_346 = arith.constant 64 : i32
    %dma_start3A_347 = arith.constant 0 : i32
    %dma_start3A_348 = arith.constant 0 : i32
    %dma_start3A_349 = arith.constant 0 : i32
    %dma_start3A_350 = arith.constant 0 : i32
    %dma_start3A_351 = tpu.memref_slice %arg7[%dma_start3A_347, %dma_start3A_349, %dma_start3A_350] : memref<4x64x128xf32, #tpu.memory_space<vmem>> -> memref<1x64x128xf32, #tpu.memory_space<vmem>>
    %dma_start3A_352 = tpu.memref_squeeze %dma_start3A_351 : memref<1x64x128xf32, #tpu.memory_space<vmem>> -> memref<64x128xf32, #tpu.memory_space<vmem>>
    %dma_start3A_353 = arith.constant 0 : i32
    %dma_start3A_354 = arith.constant 0 : i32
    %dma_start3A_355 = tpu.memref_slice %arg5[%dma_start3A_348, %dma_start3A_353, %dma_start3A_354] : memref<4x2048x128xf32, #tpu.memory_space<hbm>> -> memref<1x2048x128xf32, #tpu.memory_space<hbm>>
    %dma_start3A_356 = tpu.memref_squeeze %dma_start3A_355 : memref<1x2048x128xf32, #tpu.memory_space<hbm>> -> memref<2048x128xf32, #tpu.memory_space<hbm>>
    %dma_start3A_357 = arith.constant 0 : i32
    %dma_start3A_358 = tpu.memref_slice %dma_start3A_356[%mul3A_2, %dma_start3A_357] : memref<2048x128xf32, #tpu.memory_space<hbm>> -> memref<64x128xf32, #tpu.memory_space<hbm>>
    %dma_start3A_359 = arith.constant 0 : i32
    %dma_start3A_360 = arith.constant 0 : i32
    %dma_start3A_361 = tpu.memref_slice %arg5[%dma_start3A_348, %dma_start3A_359, %dma_start3A_360] : memref<4x2048x128xf32, #tpu.memory_space<hbm>> -> memref<1x2048x128xf32, #tpu.memory_space<hbm>>
    %dma_start3A_362 = tpu.memref_squeeze %dma_start3A_361 : memref<1x2048x128xf32, #tpu.memory_space<hbm>> -> memref<2048x128xf32, #tpu.memory_space<hbm>>
    %dma_start3A_363 = arith.constant 0 : i32
    %dma_start3A_364 = tpu.memref_slice %dma_start3A_362[%mul3A_2, %dma_start3A_363] : memref<2048x128xf32, #tpu.memory_space<hbm>> -> memref<64x128xf32, #tpu.memory_space<hbm>>
    %dma_start3A_365 = arith.constant 0 : i32
    %dma_start3A_366 = arith.constant 0 : i32
    %dma_start3A_367 = tpu.memref_slice %arg7[%dma_start3A_347, %dma_start3A_365, %dma_start3A_366] : memref<4x64x128xf32, #tpu.memory_space<vmem>> -> memref<1x64x128xf32, #tpu.memory_space<vmem>>
    %dma_start3A_368 = tpu.memref_squeeze %dma_start3A_367 : memref<1x64x128xf32, #tpu.memory_space<vmem>> -> memref<64x128xf32, #tpu.memory_space<vmem>>
    tpu.enqueue_dma source(%dma_start3A_368 : memref<64x128xf32, #tpu.memory_space<vmem>>) target(%dma_start3A_364 : memref<64x128xf32, #tpu.memory_space<hbm>>) target_semaphore(%arg11 : memref<!tpu.dma_semaphore, #tpu.memory_space<semaphore_mem>>)
    %dma_wait3A_369 = arith.constant 1 : i32
    %dma_wait3A_370 = arith.constant 1 : i32
    %dma_wait3A_371 = arith.constant 0 : i32
    %dma_wait3A_372 = arith.constant 0 : i32
    %dma_wait3A_373 = tpu.memref_slice %arg7[%dma_wait3A_370, %dma_wait3A_371, %dma_wait3A_372] : memref<4x64x128xf32, #tpu.memory_space<vmem>> -> memref<1x64x128xf32, #tpu.memory_space<vmem>>
    %dma_wait3A_374 = tpu.memref_squeeze %dma_wait3A_373 : memref<1x64x128xf32, #tpu.memory_space<vmem>> -> memref<64x128xf32, #tpu.memory_space<vmem>>
    %dma_wait3A_375 = arith.constant 0 : i32
    %dma_wait3A_376 = tpu.memref_slice %arg6[%dma_wait3A_369, %dma_wait3A_375] : memref<4x64xi32, #tpu.memory_space<vmem>> -> memref<1x64xi32, #tpu.memory_space<vmem>>
    %dma_wait3A_377 = tpu.memref_squeeze %dma_wait3A_376 : memref<1x64xi32, #tpu.memory_space<vmem>> -> memref<64xi32, #tpu.memory_space<vmem>>
    %dma_wait3A_378 = arith.constant 0 : i32
    %dma_wait3A_379 = arith.constant 0 : i32
    %dma_wait3A_380 = tpu.memref_slice %arg3[%dma_wait3A_378, %dma_wait3A_379] : memref<100000x128xf32, #tpu.memory_space<hbm>> -> memref<100000x128xf32, #tpu.memory_space<hbm>>
    tpu.wait_indirect_dma semaphore(%arg10 : memref<!tpu.dma_semaphore, #tpu.memory_space<semaphore_mem>>) src(%dma_wait3A_380 : memref<100000x128xf32, #tpu.memory_space<hbm>>) dst(%dma_wait3A_374 : memref<64x128xf32, #tpu.memory_space<vmem>>)
    %scan3A_381 = arith.constant 0 : i32
    %scan3A_382 = arith.constant 0 : i32
    %scan3A_383 = arith.constant 64 : i32
    %scan3A_384 = arith.addi %scan3A_382, %scan3A_383 : i32
    %scan3A_385 = arith.constant 1 : i32
    scf.for %scan3A_577 = %scan3A_382 to %scan3A_384 step %scan3A_385  : i32 {
      %get3A_578 = arith.constant 1 : i32
      %get3A_579 = arith.index_cast %get3A_578 : i32 to index
      %get3A_580 = arith.index_cast %scan3A_577 : i32 to index
      %get3A_581 = arith.constant 0 : index
      %get3A_582 = tpu.vector_load %arg7[%get3A_579, %get3A_580, %get3A_581] {strides = array<i32>} : memref<4x64x128xf32, #tpu.memory_space<vmem>>, vector<1x1x16xf32>,
      %get3A_583 = vector.shape_cast %get3A_582 : vector<1x1x16xf32> to vector<16xf32>
      %mul3A_584 = arith.constant 11.3137083 : f32
      %mul3A_585 = vector.broadcast %mul3A_584 : f32 to vector<16xf32>
      %mul3A_586 = arith.mulf %get3A_583, %mul3A_585 : vector<16xf32>
      %get3A_587 = arith.index_cast %scan3A_577 : i32 to index
      %get3A_588 = arith.constant 0 : index
      %get3A_589 = tpu.vector_load %arg8[%get3A_587, %get3A_588] {strides = array<i32>} : memref<64x128xf32, #tpu.memory_space<vmem>>, vector<1x16xf32>,
      %get3A_590 = vector.shape_cast %get3A_589 : vector<1x16xf32> to vector<16xf32>
      %add3A_591 = arith.addf %mul3A_586, %get3A_590 : vector<16xf32>
      %swap3A = arith.constant 1 : i32
      %swap3A_592 = arith.index_cast %swap3A : i32 to index
      %swap3A_593 = arith.index_cast %scan3A_577 : i32 to index
      %swap3A_594 = arith.constant 0 : index
      %swap3A_595 = tpu.vector_load %arg7[%swap3A_592, %swap3A_593, %swap3A_594] {strides = array<i32>} : memref<4x64x128xf32, #tpu.memory_space<vmem>>, vector<1x1x16xf32>,
      %swap3A_596 = vector.shape_cast %swap3A_595 : vector<1x1x16xf32> to vector<16xf32>
      %swap3A_597 = vector.shape_cast %add3A_591 : vector<16xf32> to vector<1x1x16xf32>
      tpu.vector_store %arg7[%swap3A_592, %swap3A_593, %swap3A_594], %swap3A_597 {strides = array<i32>} : memref<4x64x128xf32, #tpu.memory_space<vmem>>, vector<1x1x16xf32>,
      %get3A_598 = arith.constant 1 : i32
      %get3A_599 = arith.index_cast %get3A_598 : i32 to index
      %get3A_600 = arith.index_cast %scan3A_577 : i32 to index
      %get3A_601 = arith.constant 16 : index
      %get3A_602 = tpu.vector_load %arg7[%get3A_599, %get3A_600, %get3A_601] {strides = array<i32>} : memref<4x64x128xf32, #tpu.memory_space<vmem>>, vector<1x1x16xf32>,
      %get3A_603 = vector.shape_cast %get3A_602 : vector<1x1x16xf32> to vector<16xf32>
      %mul3A_604 = arith.constant 11.3137083 : f32
      %mul3A_605 = vector.broadcast %mul3A_604 : f32 to vector<16xf32>
      %mul3A_606 = arith.mulf %get3A_603, %mul3A_605 : vector<16xf32>
      %get3A_607 = arith.index_cast %scan3A_577 : i32 to index
      %get3A_608 = arith.constant 16 : index
      %get3A_609 = tpu.vector_load %arg8[%get3A_607, %get3A_608] {strides = array<i32>} : memref<64x128xf32, #tpu.memory_space<vmem>>, vector<1x16xf32>,
      %get3A_610 = vector.shape_cast %get3A_609 : vector<1x16xf32> to vector<16xf32>
      %add3A_611 = arith.addf %mul3A_606, %get3A_610 : vector<16xf32>
      %swap3A_612 = arith.constant 1 : i32
      %swap3A_613 = arith.index_cast %swap3A_612 : i32 to index
      %swap3A_614 = arith.index_cast %scan3A_577 : i32 to index
      %swap3A_615 = arith.constant 16 : index
      %swap3A_616 = tpu.vector_load %arg7[%swap3A_613, %swap3A_614, %swap3A_615] {strides = array<i32>} : memref<4x64x128xf32, #tpu.memory_space<vmem>>, vector<1x1x16xf32>,
      %swap3A_617 = vector.shape_cast %swap3A_616 : vector<1x1x16xf32> to vector<16xf32>
      %swap3A_618 = vector.shape_cast %add3A_611 : vector<16xf32> to vector<1x1x16xf32>
      tpu.vector_store %arg7[%swap3A_613, %swap3A_614, %swap3A_615], %swap3A_618 {strides = array<i32>} : memref<4x64x128xf32, #tpu.memory_space<vmem>>, vector<1x1x16xf32>,
      %get3A_619 = arith.constant 1 : i32
      %get3A_620 = arith.index_cast %get3A_619 : i32 to index
      %get3A_621 = arith.index_cast %scan3A_577 : i32 to index
      %get3A_622 = arith.constant 32 : index
      %get3A_623 = tpu.vector_load %arg7[%get3A_620, %get3A_621, %get3A_622] {strides = array<i32>} : memref<4x64x128xf32, #tpu.memory_space<vmem>>, vector<1x1x16xf32>,
      %get3A_624 = vector.shape_cast %get3A_623 : vector<1x1x16xf32> to vector<16xf32>
      %mul3A_625 = arith.constant 11.3137083 : f32
      %mul3A_626 = vector.broadcast %mul3A_625 : f32 to vector<16xf32>
      %mul3A_627 = arith.mulf %get3A_624, %mul3A_626 : vector<16xf32>
      %get3A_628 = arith.index_cast %scan3A_577 : i32 to index
      %get3A_629 = arith.constant 32 : index
      %get3A_630 = tpu.vector_load %arg8[%get3A_628, %get3A_629] {strides = array<i32>} : memref<64x128xf32, #tpu.memory_space<vmem>>, vector<1x16xf32>,
      %get3A_631 = vector.shape_cast %get3A_630 : vector<1x16xf32> to vector<16xf32>
      %add3A_632 = arith.addf %mul3A_627, %get3A_631 : vector<16xf32>
      %swap3A_633 = arith.constant 1 : i32
      %swap3A_634 = arith.index_cast %swap3A_633 : i32 to index
      %swap3A_635 = arith.index_cast %scan3A_577 : i32 to index
      %swap3A_636 = arith.constant 32 : index
      %swap3A_637 = tpu.vector_load %arg7[%swap3A_634, %swap3A_635, %swap3A_636] {strides = array<i32>} : memref<4x64x128xf32, #tpu.memory_space<vmem>>, vector<1x1x16xf32>,
      %swap3A_638 = vector.shape_cast %swap3A_637 : vector<1x1x16xf32> to vector<16xf32>
      %swap3A_639 = vector.shape_cast %add3A_632 : vector<16xf32> to vector<1x1x16xf32>
      tpu.vector_store %arg7[%swap3A_634, %swap3A_635, %swap3A_636], %swap3A_639 {strides = array<i32>} : memref<4x64x128xf32, #tpu.memory_space<vmem>>, vector<1x1x16xf32>,
      %get3A_640 = arith.constant 1 : i32
      %get3A_641 = arith.index_cast %get3A_640 : i32 to index
      %get3A_642 = arith.index_cast %scan3A_577 : i32 to index
      %get3A_643 = arith.constant 48 : index
      %get3A_644 = tpu.vector_load %arg7[%get3A_641, %get3A_642, %get3A_643] {strides = array<i32>} : memref<4x64x128xf32, #tpu.memory_space<vmem>>, vector<1x1x16xf32>,
      %get3A_645 = vector.shape_cast %get3A_644 : vector<1x1x16xf32> to vector<16xf32>
      %mul3A_646 = arith.constant 11.3137083 : f32
      %mul3A_647 = vector.broadcast %mul3A_646 : f32 to vector<16xf32>
      %mul3A_648 = arith.mulf %get3A_645, %mul3A_647 : vector<16xf32>
      %get3A_649 = arith.index_cast %scan3A_577 : i32 to index
      %get3A_650 = arith.constant 48 : index
      %get3A_651 = tpu.vector_load %arg8[%get3A_649, %get3A_650] {strides = array<i32>} : memref<64x128xf32, #tpu.memory_space<vmem>>, vector<1x16xf32>,
      %get3A_652 = vector.shape_cast %get3A_651 : vector<1x16xf32> to vector<16xf32>
      %add3A_653 = arith.addf %mul3A_648, %get3A_652 : vector<16xf32>
      %swap3A_654 = arith.constant 1 : i32
      %swap3A_655 = arith.index_cast %swap3A_654 : i32 to index
      %swap3A_656 = arith.index_cast %scan3A_577 : i32 to index
      %swap3A_657 = arith.constant 48 : index
      %swap3A_658 = tpu.vector_load %arg7[%swap3A_655, %swap3A_656, %swap3A_657] {strides = array<i32>} : memref<4x64x128xf32, #tpu.memory_space<vmem>>, vector<1x1x16xf32>,
      %swap3A_659 = vector.shape_cast %swap3A_658 : vector<1x1x16xf32> to vector<16xf32>
      %swap3A_660 = vector.shape_cast %add3A_653 : vector<16xf32> to vector<1x1x16xf32>
      tpu.vector_store %arg7[%swap3A_655, %swap3A_656, %swap3A_657], %swap3A_660 {strides = array<i32>} : memref<4x64x128xf32, #tpu.memory_space<vmem>>, vector<1x1x16xf32>,
      %get3A_661 = arith.constant 1 : i32
      %get3A_662 = arith.index_cast %get3A_661 : i32 to index
      %get3A_663 = arith.index_cast %scan3A_577 : i32 to index
      %get3A_664 = arith.constant 64 : index
      %get3A_665 = tpu.vector_load %arg7[%get3A_662, %get3A_663, %get3A_664] {strides = array<i32>} : memref<4x64x128xf32, #tpu.memory_space<vmem>>, vector<1x1x16xf32>,
      %get3A_666 = vector.shape_cast %get3A_665 : vector<1x1x16xf32> to vector<16xf32>
      %mul3A_667 = arith.constant 11.3137083 : f32
      %mul3A_668 = vector.broadcast %mul3A_667 : f32 to vector<16xf32>
      %mul3A_669 = arith.mulf %get3A_666, %mul3A_668 : vector<16xf32>
      %get3A_670 = arith.index_cast %scan3A_577 : i32 to index
      %get3A_671 = arith.constant 64 : index
      %get3A_672 = tpu.vector_load %arg8[%get3A_670, %get3A_671] {strides = array<i32>} : memref<64x128xf32, #tpu.memory_space<vmem>>, vector<1x16xf32>,
      %get3A_673 = vector.shape_cast %get3A_672 : vector<1x16xf32> to vector<16xf32>
      %add3A_674 = arith.addf %mul3A_669, %get3A_673 : vector<16xf32>
      %swap3A_675 = arith.constant 1 : i32
      %swap3A_676 = arith.index_cast %swap3A_675 : i32 to index
      %swap3A_677 = arith.index_cast %scan3A_577 : i32 to index
      %swap3A_678 = arith.constant 64 : index
      %swap3A_679 = tpu.vector_load %arg7[%swap3A_676, %swap3A_677, %swap3A_678] {strides = array<i32>} : memref<4x64x128xf32, #tpu.memory_space<vmem>>, vector<1x1x16xf32>,
      %swap3A_680 = vector.shape_cast %swap3A_679 : vector<1x1x16xf32> to vector<16xf32>
      %swap3A_681 = vector.shape_cast %add3A_674 : vector<16xf32> to vector<1x1x16xf32>
      tpu.vector_store %arg7[%swap3A_676, %swap3A_677, %swap3A_678], %swap3A_681 {strides = array<i32>} : memref<4x64x128xf32, #tpu.memory_space<vmem>>, vector<1x1x16xf32>,
      %get3A_682 = arith.constant 1 : i32
      %get3A_683 = arith.index_cast %get3A_682 : i32 to index
      %get3A_684 = arith.index_cast %scan3A_577 : i32 to index
      %get3A_685 = arith.constant 80 : index
      %get3A_686 = tpu.vector_load %arg7[%get3A_683, %get3A_684, %get3A_685] {strides = array<i32>} : memref<4x64x128xf32, #tpu.memory_space<vmem>>, vector<1x1x16xf32>,
      %get3A_687 = vector.shape_cast %get3A_686 : vector<1x1x16xf32> to vector<16xf32>
      %mul3A_688 = arith.constant 11.3137083 : f32
      %mul3A_689 = vector.broadcast %mul3A_688 : f32 to vector<16xf32>
      %mul3A_690 = arith.mulf %get3A_687, %mul3A_689 : vector<16xf32>
      %get3A_691 = arith.index_cast %scan3A_577 : i32 to index
      %get3A_692 = arith.constant 80 : index
      %get3A_693 = tpu.vector_load %arg8[%get3A_691, %get3A_692] {strides = array<i32>} : memref<64x128xf32, #tpu.memory_space<vmem>>, vector<1x16xf32>,
      %get3A_694 = vector.shape_cast %get3A_693 : vector<1x16xf32> to vector<16xf32>
      %add3A_695 = arith.addf %mul3A_690, %get3A_694 : vector<16xf32>
      %swap3A_696 = arith.constant 1 : i32
      %swap3A_697 = arith.index_cast %swap3A_696 : i32 to index
      %swap3A_698 = arith.index_cast %scan3A_577 : i32 to index
      %swap3A_699 = arith.constant 80 : index
      %swap3A_700 = tpu.vector_load %arg7[%swap3A_697, %swap3A_698, %swap3A_699] {strides = array<i32>} : memref<4x64x128xf32, #tpu.memory_space<vmem>>, vector<1x1x16xf32>,
      %swap3A_701 = vector.shape_cast %swap3A_700 : vector<1x1x16xf32> to vector<16xf32>
      %swap3A_702 = vector.shape_cast %add3A_695 : vector<16xf32> to vector<1x1x16xf32>
      tpu.vector_store %arg7[%swap3A_697, %swap3A_698, %swap3A_699], %swap3A_702 {strides = array<i32>} : memref<4x64x128xf32, #tpu.memory_space<vmem>>, vector<1x1x16xf32>,
      %get3A_703 = arith.constant 1 : i32
      %get3A_704 = arith.index_cast %get3A_703 : i32 to index
      %get3A_705 = arith.index_cast %scan3A_577 : i32 to index
      %get3A_706 = arith.constant 96 : index
      %get3A_707 = tpu.vector_load %arg7[%get3A_704, %get3A_705, %get3A_706] {strides = array<i32>} : memref<4x64x128xf32, #tpu.memory_space<vmem>>, vector<1x1x16xf32>,
      %get3A_708 = vector.shape_cast %get3A_707 : vector<1x1x16xf32> to vector<16xf32>
      %mul3A_709 = arith.constant 11.3137083 : f32
      %mul3A_710 = vector.broadcast %mul3A_709 : f32 to vector<16xf32>
      %mul3A_711 = arith.mulf %get3A_708, %mul3A_710 : vector<16xf32>
      %get3A_712 = arith.index_cast %scan3A_577 : i32 to index
      %get3A_713 = arith.constant 96 : index
      %get3A_714 = tpu.vector_load %arg8[%get3A_712, %get3A_713] {strides = array<i32>} : memref<64x128xf32, #tpu.memory_space<vmem>>, vector<1x16xf32>,
      %get3A_715 = vector.shape_cast %get3A_714 : vector<1x16xf32> to vector<16xf32>
      %add3A_716 = arith.addf %mul3A_711, %get3A_715 : vector<16xf32>
      %swap3A_717 = arith.constant 1 : i32
      %swap3A_718 = arith.index_cast %swap3A_717 : i32 to index
      %swap3A_719 = arith.index_cast %scan3A_577 : i32 to index
      %swap3A_720 = arith.constant 96 : index
      %swap3A_721 = tpu.vector_load %arg7[%swap3A_718, %swap3A_719, %swap3A_720] {strides = array<i32>} : memref<4x64x128xf32, #tpu.memory_space<vmem>>, vector<1x1x16xf32>,
      %swap3A_722 = vector.shape_cast %swap3A_721 : vector<1x1x16xf32> to vector<16xf32>
      %swap3A_723 = vector.shape_cast %add3A_716 : vector<16xf32> to vector<1x1x16xf32>
      tpu.vector_store %arg7[%swap3A_718, %swap3A_719, %swap3A_720], %swap3A_723 {strides = array<i32>} : memref<4x64x128xf32, #tpu.memory_space<vmem>>, vector<1x1x16xf32>,
      %get3A_724 = arith.constant 1 : i32
      %get3A_725 = arith.index_cast %get3A_724 : i32 to index
      %get3A_726 = arith.index_cast %scan3A_577 : i32 to index
      %get3A_727 = arith.constant 112 : index
      %get3A_728 = tpu.vector_load %arg7[%get3A_725, %get3A_726, %get3A_727] {strides = array<i32>} : memref<4x64x128xf32, #tpu.memory_space<vmem>>, vector<1x1x16xf32>,
      %get3A_729 = vector.shape_cast %get3A_728 : vector<1x1x16xf32> to vector<16xf32>
      %mul3A_730 = arith.constant 11.3137083 : f32
      %mul3A_731 = vector.broadcast %mul3A_730 : f32 to vector<16xf32>
      %mul3A_732 = arith.mulf %get3A_729, %mul3A_731 : vector<16xf32>
      %get3A_733 = arith.index_cast %scan3A_577 : i32 to index
      %get3A_734 = arith.constant 112 : index
      %get3A_735 = tpu.vector_load %arg8[%get3A_733, %get3A_734] {strides = array<i32>} : memref<64x128xf32, #tpu.memory_space<vmem>>, vector<1x16xf32>,
      %get3A_736 = vector.shape_cast %get3A_735 : vector<1x16xf32> to vector<16xf32>
      %add3A_737 = arith.addf %mul3A_732, %get3A_736 : vector<16xf32>
      %swap3A_738 = arith.constant 1 : i32
      %swap3A_739 = arith.index_cast %swap3A_738 : i32 to index
      %swap3A_740 = arith.index_cast %scan3A_577 : i32 to index
      %swap3A_741 = arith.constant 112 : index
      %swap3A_742 = tpu.vector_load %arg7[%swap3A_739, %swap3A_740, %swap3A_741] {strides = array<i32>} : memref<4x64x128xf32, #tpu.memory_space<vmem>>, vector<1x1x16xf32>,
      %swap3A_743 = vector.shape_cast %swap3A_742 : vector<1x1x16xf32> to vector<16xf32>
      %swap3A_744 = vector.shape_cast %add3A_737 : vector<16xf32> to vector<1x1x16xf32>
      tpu.vector_store %arg7[%swap3A_739, %swap3A_740, %swap3A_741], %swap3A_744 {strides = array<i32>} : memref<4x64x128xf32, #tpu.memory_space<vmem>>, vector<1x1x16xf32>,
    }
    %scan3A_386 = arith.constant 64 : i32
    %dma_start3A_387 = arith.constant 1 : i32
    %dma_start3A_388 = arith.constant 1 : i32
    %dma_start3A_389 = arith.constant 0 : i32
    %dma_start3A_390 = arith.constant 0 : i32
    %dma_start3A_391 = tpu.memref_slice %arg7[%dma_start3A_387, %dma_start3A_389, %dma_start3A_390] : memref<4x64x128xf32, #tpu.memory_space<vmem>> -> memref<1x64x128xf32, #tpu.memory_space<vmem>>
    %dma_start3A_392 = tpu.memref_squeeze %dma_start3A_391 : memref<1x64x128xf32, #tpu.memory_space<vmem>> -> memref<64x128xf32, #tpu.memory_space<vmem>>
    %dma_start3A_393 = arith.constant 0 : i32
    %dma_start3A_394 = arith.constant 0 : i32
    %dma_start3A_395 = tpu.memref_slice %arg5[%dma_start3A_388, %dma_start3A_393, %dma_start3A_394] : memref<4x2048x128xf32, #tpu.memory_space<hbm>> -> memref<1x2048x128xf32, #tpu.memory_space<hbm>>
    %dma_start3A_396 = tpu.memref_squeeze %dma_start3A_395 : memref<1x2048x128xf32, #tpu.memory_space<hbm>> -> memref<2048x128xf32, #tpu.memory_space<hbm>>
    %dma_start3A_397 = arith.constant 0 : i32
    %dma_start3A_398 = tpu.memref_slice %dma_start3A_396[%mul3A_2, %dma_start3A_397] : memref<2048x128xf32, #tpu.memory_space<hbm>> -> memref<64x128xf32, #tpu.memory_space<hbm>>
    %dma_start3A_399 = arith.constant 0 : i32
    %dma_start3A_400 = arith.constant 0 : i32
    %dma_start3A_401 = tpu.memref_slice %arg5[%dma_start3A_388, %dma_start3A_399, %dma_start3A_400] : memref<4x2048x128xf32, #tpu.memory_space<hbm>> -> memref<1x2048x128xf32, #tpu.memory_space<hbm>>
    %dma_start3A_402 = tpu.memref_squeeze %dma_start3A_401 : memref<1x2048x128xf32, #tpu.memory_space<hbm>> -> memref<2048x128xf32, #tpu.memory_space<hbm>>
    %dma_start3A_403 = arith.constant 0 : i32
    %dma_start3A_404 = tpu.memref_slice %dma_start3A_402[%mul3A_2, %dma_start3A_403] : memref<2048x128xf32, #tpu.memory_space<hbm>> -> memref<64x128xf32, #tpu.memory_space<hbm>>
    %dma_start3A_405 = arith.constant 0 : i32
    %dma_start3A_406 = arith.constant 0 : i32
    %dma_start3A_407 = tpu.memref_slice %arg7[%dma_start3A_387, %dma_start3A_405, %dma_start3A_406] : memref<4x64x128xf32, #tpu.memory_space<vmem>> -> memref<1x64x128xf32, #tpu.memory_space<vmem>>
    %dma_start3A_408 = tpu.memref_squeeze %dma_start3A_407 : memref<1x64x128xf32, #tpu.memory_space<vmem>> -> memref<64x128xf32, #tpu.memory_space<vmem>>
    tpu.enqueue_dma source(%dma_start3A_408 : memref<64x128xf32, #tpu.memory_space<vmem>>) target(%dma_start3A_404 : memref<64x128xf32, #tpu.memory_space<hbm>>) target_semaphore(%arg11 : memref<!tpu.dma_semaphore, #tpu.memory_space<semaphore_mem>>)
    %dma_wait3A_409 = arith.constant 2 : i32
    %dma_wait3A_410 = arith.constant 2 : i32
    %dma_wait3A_411 = arith.constant 0 : i32
    %dma_wait3A_412 = arith.constant 0 : i32
    %dma_wait3A_413 = tpu.memref_slice %arg7[%dma_wait3A_410, %dma_wait3A_411, %dma_wait3A_412] : memref<4x64x128xf32, #tpu.memory_space<vmem>> -> memref<1x64x128xf32, #tpu.memory_space<vmem>>
    %dma_wait3A_414 = tpu.memref_squeeze %dma_wait3A_413 : memref<1x64x128xf32, #tpu.memory_space<vmem>> -> memref<64x128xf32, #tpu.memory_space<vmem>>
    %dma_wait3A_415 = arith.constant 0 : i32
    %dma_wait3A_416 = tpu.memref_slice %arg6[%dma_wait3A_409, %dma_wait3A_415] : memref<4x64xi32, #tpu.memory_space<vmem>> -> memref<1x64xi32, #tpu.memory_space<vmem>>
    %dma_wait3A_417 = tpu.memref_squeeze %dma_wait3A_416 : memref<1x64xi32, #tpu.memory_space<vmem>> -> memref<64xi32, #tpu.memory_space<vmem>>
    %dma_wait3A_418 = arith.constant 0 : i32
    %dma_wait3A_419 = arith.constant 0 : i32
    %dma_wait3A_420 = tpu.memref_slice %arg3[%dma_wait3A_418, %dma_wait3A_419] : memref<100000x128xf32, #tpu.memory_space<hbm>> -> memref<100000x128xf32, #tpu.memory_space<hbm>>
    tpu.wait_indirect_dma semaphore(%arg10 : memref<!tpu.dma_semaphore, #tpu.memory_space<semaphore_mem>>) src(%dma_wait3A_420 : memref<100000x128xf32, #tpu.memory_space<hbm>>) dst(%dma_wait3A_414 : memref<64x128xf32, #tpu.memory_space<vmem>>)
    %scan3A_421 = arith.constant 0 : i32
    %scan3A_422 = arith.constant 0 : i32
    %scan3A_423 = arith.constant 64 : i32
    %scan3A_424 = arith.addi %scan3A_422, %scan3A_423 : i32
    %scan3A_425 = arith.constant 1 : i32
    scf.for %scan3A_577 = %scan3A_422 to %scan3A_424 step %scan3A_425  : i32 {
      %get3A_578 = arith.constant 2 : i32
      %get3A_579 = arith.index_cast %get3A_578 : i32 to index
      %get3A_580 = arith.index_cast %scan3A_577 : i32 to index
      %get3A_581 = arith.constant 0 : index
      %get3A_582 = tpu.vector_load %arg7[%get3A_579, %get3A_580, %get3A_581] {strides = array<i32>} : memref<4x64x128xf32, #tpu.memory_space<vmem>>, vector<1x1x16xf32>,
      %get3A_583 = vector.shape_cast %get3A_582 : vector<1x1x16xf32> to vector<16xf32>
      %mul3A_584 = arith.constant 11.3137083 : f32
      %mul3A_585 = vector.broadcast %mul3A_584 : f32 to vector<16xf32>
      %mul3A_586 = arith.mulf %get3A_583, %mul3A_585 : vector<16xf32>
      %get3A_587 = arith.index_cast %scan3A_577 : i32 to index
      %get3A_588 = arith.constant 0 : index
      %get3A_589 = tpu.vector_load %arg8[%get3A_587, %get3A_588] {strides = array<i32>} : memref<64x128xf32, #tpu.memory_space<vmem>>, vector<1x16xf32>,
      %get3A_590 = vector.shape_cast %get3A_589 : vector<1x16xf32> to vector<16xf32>
      %add3A_591 = arith.addf %mul3A_586, %get3A_590 : vector<16xf32>
      %swap3A = arith.constant 2 : i32
      %swap3A_592 = arith.index_cast %swap3A : i32 to index
      %swap3A_593 = arith.index_cast %scan3A_577 : i32 to index
      %swap3A_594 = arith.constant 0 : index
      %swap3A_595 = tpu.vector_load %arg7[%swap3A_592, %swap3A_593, %swap3A_594] {strides = array<i32>} : memref<4x64x128xf32, #tpu.memory_space<vmem>>, vector<1x1x16xf32>,
      %swap3A_596 = vector.shape_cast %swap3A_595 : vector<1x1x16xf32> to vector<16xf32>
      %swap3A_597 = vector.shape_cast %add3A_591 : vector<16xf32> to vector<1x1x16xf32>
      tpu.vector_store %arg7[%swap3A_592, %swap3A_593, %swap3A_594], %swap3A_597 {strides = array<i32>} : memref<4x64x128xf32, #tpu.memory_space<vmem>>, vector<1x1x16xf32>,
      %get3A_598 = arith.constant 2 : i32
      %get3A_599 = arith.index_cast %get3A_598 : i32 to index
      %get3A_600 = arith.index_cast %scan3A_577 : i32 to index
      %get3A_601 = arith.constant 16 : index
      %get3A_602 = tpu.vector_load %arg7[%get3A_599, %get3A_600, %get3A_601] {strides = array<i32>} : memref<4x64x128xf32, #tpu.memory_space<vmem>>, vector<1x1x16xf32>,
      %get3A_603 = vector.shape_cast %get3A_602 : vector<1x1x16xf32> to vector<16xf32>
      %mul3A_604 = arith.constant 11.3137083 : f32
      %mul3A_605 = vector.broadcast %mul3A_604 : f32 to vector<16xf32>
      %mul3A_606 = arith.mulf %get3A_603, %mul3A_605 : vector<16xf32>
      %get3A_607 = arith.index_cast %scan3A_577 : i32 to index
      %get3A_608 = arith.constant 16 : index
      %get3A_609 = tpu.vector_load %arg8[%get3A_607, %get3A_608] {strides = array<i32>} : memref<64x128xf32, #tpu.memory_space<vmem>>, vector<1x16xf32>,
      %get3A_610 = vector.shape_cast %get3A_609 : vector<1x16xf32> to vector<16xf32>
      %add3A_611 = arith.addf %mul3A_606, %get3A_610 : vector<16xf32>
      %swap3A_612 = arith.constant 2 : i32
      %swap3A_613 = arith.index_cast %swap3A_612 : i32 to index
      %swap3A_614 = arith.index_cast %scan3A_577 : i32 to index
      %swap3A_615 = arith.constant 16 : index
      %swap3A_616 = tpu.vector_load %arg7[%swap3A_613, %swap3A_614, %swap3A_615] {strides = array<i32>} : memref<4x64x128xf32, #tpu.memory_space<vmem>>, vector<1x1x16xf32>,
      %swap3A_617 = vector.shape_cast %swap3A_616 : vector<1x1x16xf32> to vector<16xf32>
      %swap3A_618 = vector.shape_cast %add3A_611 : vector<16xf32> to vector<1x1x16xf32>
      tpu.vector_store %arg7[%swap3A_613, %swap3A_614, %swap3A_615], %swap3A_618 {strides = array<i32>} : memref<4x64x128xf32, #tpu.memory_space<vmem>>, vector<1x1x16xf32>,
      %get3A_619 = arith.constant 2 : i32
      %get3A_620 = arith.index_cast %get3A_619 : i32 to index
      %get3A_621 = arith.index_cast %scan3A_577 : i32 to index
      %get3A_622 = arith.constant 32 : index
      %get3A_623 = tpu.vector_load %arg7[%get3A_620, %get3A_621, %get3A_622] {strides = array<i32>} : memref<4x64x128xf32, #tpu.memory_space<vmem>>, vector<1x1x16xf32>,
      %get3A_624 = vector.shape_cast %get3A_623 : vector<1x1x16xf32> to vector<16xf32>
      %mul3A_625 = arith.constant 11.3137083 : f32
      %mul3A_626 = vector.broadcast %mul3A_625 : f32 to vector<16xf32>
      %mul3A_627 = arith.mulf %get3A_624, %mul3A_626 : vector<16xf32>
      %get3A_628 = arith.index_cast %scan3A_577 : i32 to index
      %get3A_629 = arith.constant 32 : index
      %get3A_630 = tpu.vector_load %arg8[%get3A_628, %get3A_629] {strides = array<i32>} : memref<64x128xf32, #tpu.memory_space<vmem>>, vector<1x16xf32>,
      %get3A_631 = vector.shape_cast %get3A_630 : vector<1x16xf32> to vector<16xf32>
      %add3A_632 = arith.addf %mul3A_627, %get3A_631 : vector<16xf32>
      %swap3A_633 = arith.constant 2 : i32
      %swap3A_634 = arith.index_cast %swap3A_633 : i32 to index
      %swap3A_635 = arith.index_cast %scan3A_577 : i32 to index
      %swap3A_636 = arith.constant 32 : index
      %swap3A_637 = tpu.vector_load %arg7[%swap3A_634, %swap3A_635, %swap3A_636] {strides = array<i32>} : memref<4x64x128xf32, #tpu.memory_space<vmem>>, vector<1x1x16xf32>,
      %swap3A_638 = vector.shape_cast %swap3A_637 : vector<1x1x16xf32> to vector<16xf32>
      %swap3A_639 = vector.shape_cast %add3A_632 : vector<16xf32> to vector<1x1x16xf32>
      tpu.vector_store %arg7[%swap3A_634, %swap3A_635, %swap3A_636], %swap3A_639 {strides = array<i32>} : memref<4x64x128xf32, #tpu.memory_space<vmem>>, vector<1x1x16xf32>,
      %get3A_640 = arith.constant 2 : i32
      %get3A_641 = arith.index_cast %get3A_640 : i32 to index
      %get3A_642 = arith.index_cast %scan3A_577 : i32 to index
      %get3A_643 = arith.constant 48 : index
      %get3A_644 = tpu.vector_load %arg7[%get3A_641, %get3A_642, %get3A_643] {strides = array<i32>} : memref<4x64x128xf32, #tpu.memory_space<vmem>>, vector<1x1x16xf32>,
      %get3A_645 = vector.shape_cast %get3A_644 : vector<1x1x16xf32> to vector<16xf32>
      %mul3A_646 = arith.constant 11.3137083 : f32
      %mul3A_647 = vector.broadcast %mul3A_646 : f32 to vector<16xf32>
      %mul3A_648 = arith.mulf %get3A_645, %mul3A_647 : vector<16xf32>
      %get3A_649 = arith.index_cast %scan3A_577 : i32 to index
      %get3A_650 = arith.constant 48 : index
      %get3A_651 = tpu.vector_load %arg8[%get3A_649, %get3A_650] {strides = array<i32>} : memref<64x128xf32, #tpu.memory_space<vmem>>, vector<1x16xf32>,
      %get3A_652 = vector.shape_cast %get3A_651 : vector<1x16xf32> to vector<16xf32>
      %add3A_653 = arith.addf %mul3A_648, %get3A_652 : vector<16xf32>
      %swap3A_654 = arith.constant 2 : i32
      %swap3A_655 = arith.index_cast %swap3A_654 : i32 to index
      %swap3A_656 = arith.index_cast %scan3A_577 : i32 to index
      %swap3A_657 = arith.constant 48 : index
      %swap3A_658 = tpu.vector_load %arg7[%swap3A_655, %swap3A_656, %swap3A_657] {strides = array<i32>} : memref<4x64x128xf32, #tpu.memory_space<vmem>>, vector<1x1x16xf32>,
      %swap3A_659 = vector.shape_cast %swap3A_658 : vector<1x1x16xf32> to vector<16xf32>
      %swap3A_660 = vector.shape_cast %add3A_653 : vector<16xf32> to vector<1x1x16xf32>
      tpu.vector_store %arg7[%swap3A_655, %swap3A_656, %swap3A_657], %swap3A_660 {strides = array<i32>} : memref<4x64x128xf32, #tpu.memory_space<vmem>>, vector<1x1x16xf32>,
      %get3A_661 = arith.constant 2 : i32
      %get3A_662 = arith.index_cast %get3A_661 : i32 to index
      %get3A_663 = arith.index_cast %scan3A_577 : i32 to index
      %get3A_664 = arith.constant 64 : index
      %get3A_665 = tpu.vector_load %arg7[%get3A_662, %get3A_663, %get3A_664] {strides = array<i32>} : memref<4x64x128xf32, #tpu.memory_space<vmem>>, vector<1x1x16xf32>,
      %get3A_666 = vector.shape_cast %get3A_665 : vector<1x1x16xf32> to vector<16xf32>
      %mul3A_667 = arith.constant 11.3137083 : f32
      %mul3A_668 = vector.broadcast %mul3A_667 : f32 to vector<16xf32>
      %mul3A_669 = arith.mulf %get3A_666, %mul3A_668 : vector<16xf32>
      %get3A_670 = arith.index_cast %scan3A_577 : i32 to index
      %get3A_671 = arith.constant 64 : index
      %get3A_672 = tpu.vector_load %arg8[%get3A_670, %get3A_671] {strides = array<i32>} : memref<64x128xf32, #tpu.memory_space<vmem>>, vector<1x16xf32>,
      %get3A_673 = vector.shape_cast %get3A_672 : vector<1x16xf32> to vector<16xf32>
      %add3A_674 = arith.addf %mul3A_669, %get3A_673 : vector<16xf32>
      %swap3A_675 = arith.constant 2 : i32
      %swap3A_676 = arith.index_cast %swap3A_675 : i32 to index
      %swap3A_677 = arith.index_cast %scan3A_577 : i32 to index
      %swap3A_678 = arith.constant 64 : index
      %swap3A_679 = tpu.vector_load %arg7[%swap3A_676, %swap3A_677, %swap3A_678] {strides = array<i32>} : memref<4x64x128xf32, #tpu.memory_space<vmem>>, vector<1x1x16xf32>,
      %swap3A_680 = vector.shape_cast %swap3A_679 : vector<1x1x16xf32> to vector<16xf32>
      %swap3A_681 = vector.shape_cast %add3A_674 : vector<16xf32> to vector<1x1x16xf32>
      tpu.vector_store %arg7[%swap3A_676, %swap3A_677, %swap3A_678], %swap3A_681 {strides = array<i32>} : memref<4x64x128xf32, #tpu.memory_space<vmem>>, vector<1x1x16xf32>,
      %get3A_682 = arith.constant 2 : i32
      %get3A_683 = arith.index_cast %get3A_682 : i32 to index
      %get3A_684 = arith.index_cast %scan3A_577 : i32 to index
      %get3A_685 = arith.constant 80 : index
      %get3A_686 = tpu.vector_load %arg7[%get3A_683, %get3A_684, %get3A_685] {strides = array<i32>} : memref<4x64x128xf32, #tpu.memory_space<vmem>>, vector<1x1x16xf32>,
      %get3A_687 = vector.shape_cast %get3A_686 : vector<1x1x16xf32> to vector<16xf32>
      %mul3A_688 = arith.constant 11.3137083 : f32
      %mul3A_689 = vector.broadcast %mul3A_688 : f32 to vector<16xf32>
      %mul3A_690 = arith.mulf %get3A_687, %mul3A_689 : vector<16xf32>
      %get3A_691 = arith.index_cast %scan3A_577 : i32 to index
      %get3A_692 = arith.constant 80 : index
      %get3A_693 = tpu.vector_load %arg8[%get3A_691, %get3A_692] {strides = array<i32>} : memref<64x128xf32, #tpu.memory_space<vmem>>, vector<1x16xf32>,
      %get3A_694 = vector.shape_cast %get3A_693 : vector<1x16xf32> to vector<16xf32>
      %add3A_695 = arith.addf %mul3A_690, %get3A_694 : vector<16xf32>
      %swap3A_696 = arith.constant 2 : i32
      %swap3A_697 = arith.index_cast %swap3A_696 : i32 to index
      %swap3A_698 = arith.index_cast %scan3A_577 : i32 to index
      %swap3A_699 = arith.constant 80 : index
      %swap3A_700 = tpu.vector_load %arg7[%swap3A_697, %swap3A_698, %swap3A_699] {strides = array<i32>} : memref<4x64x128xf32, #tpu.memory_space<vmem>>, vector<1x1x16xf32>,
      %swap3A_701 = vector.shape_cast %swap3A_700 : vector<1x1x16xf32> to vector<16xf32>
      %swap3A_702 = vector.shape_cast %add3A_695 : vector<16xf32> to vector<1x1x16xf32>
      tpu.vector_store %arg7[%swap3A_697, %swap3A_698, %swap3A_699], %swap3A_702 {strides = array<i32>} : memref<4x64x128xf32, #tpu.memory_space<vmem>>, vector<1x1x16xf32>,
      %get3A_703 = arith.constant 2 : i32
      %get3A_704 = arith.index_cast %get3A_703 : i32 to index
      %get3A_705 = arith.index_cast %scan3A_577 : i32 to index
      %get3A_706 = arith.constant 96 : index
      %get3A_707 = tpu.vector_load %arg7[%get3A_704, %get3A_705, %get3A_706] {strides = array<i32>} : memref<4x64x128xf32, #tpu.memory_space<vmem>>, vector<1x1x16xf32>,
      %get3A_708 = vector.shape_cast %get3A_707 : vector<1x1x16xf32> to vector<16xf32>
      %mul3A_709 = arith.constant 11.3137083 : f32
      %mul3A_710 = vector.broadcast %mul3A_709 : f32 to vector<16xf32>
      %mul3A_711 = arith.mulf %get3A_708, %mul3A_710 : vector<16xf32>
      %get3A_712 = arith.index_cast %scan3A_577 : i32 to index
      %get3A_713 = arith.constant 96 : index
      %get3A_714 = tpu.vector_load %arg8[%get3A_712, %get3A_713] {strides = array<i32>} : memref<64x128xf32, #tpu.memory_space<vmem>>, vector<1x16xf32>,
      %get3A_715 = vector.shape_cast %get3A_714 : vector<1x16xf32> to vector<16xf32>
      %add3A_716 = arith.addf %mul3A_711, %get3A_715 : vector<16xf32>
      %swap3A_717 = arith.constant 2 : i32
      %swap3A_718 = arith.index_cast %swap3A_717 : i32 to index
      %swap3A_719 = arith.index_cast %scan3A_577 : i32 to index
      %swap3A_720 = arith.constant 96 : index
      %swap3A_721 = tpu.vector_load %arg7[%swap3A_718, %swap3A_719, %swap3A_720] {strides = array<i32>} : memref<4x64x128xf32, #tpu.memory_space<vmem>>, vector<1x1x16xf32>,
      %swap3A_722 = vector.shape_cast %swap3A_721 : vector<1x1x16xf32> to vector<16xf32>
      %swap3A_723 = vector.shape_cast %add3A_716 : vector<16xf32> to vector<1x1x16xf32>
      tpu.vector_store %arg7[%swap3A_718, %swap3A_719, %swap3A_720], %swap3A_723 {strides = array<i32>} : memref<4x64x128xf32, #tpu.memory_space<vmem>>, vector<1x1x16xf32>,
      %get3A_724 = arith.constant 2 : i32
      %get3A_725 = arith.index_cast %get3A_724 : i32 to index
      %get3A_726 = arith.index_cast %scan3A_577 : i32 to index
      %get3A_727 = arith.constant 112 : index
      %get3A_728 = tpu.vector_load %arg7[%get3A_725, %get3A_726, %get3A_727] {strides = array<i32>} : memref<4x64x128xf32, #tpu.memory_space<vmem>>, vector<1x1x16xf32>,
      %get3A_729 = vector.shape_cast %get3A_728 : vector<1x1x16xf32> to vector<16xf32>
      %mul3A_730 = arith.constant 11.3137083 : f32
      %mul3A_731 = vector.broadcast %mul3A_730 : f32 to vector<16xf32>
      %mul3A_732 = arith.mulf %get3A_729, %mul3A_731 : vector<16xf32>
      %get3A_733 = arith.index_cast %scan3A_577 : i32 to index
      %get3A_734 = arith.constant 112 : index
      %get3A_735 = tpu.vector_load %arg8[%get3A_733, %get3A_734] {strides = array<i32>} : memref<64x128xf32, #tpu.memory_space<vmem>>, vector<1x16xf32>,
      %get3A_736 = vector.shape_cast %get3A_735 : vector<1x16xf32> to vector<16xf32>
      %add3A_737 = arith.addf %mul3A_732, %get3A_736 : vector<16xf32>
      %swap3A_738 = arith.constant 2 : i32
      %swap3A_739 = arith.index_cast %swap3A_738 : i32 to index
      %swap3A_740 = arith.index_cast %scan3A_577 : i32 to index
      %swap3A_741 = arith.constant 112 : index
      %swap3A_742 = tpu.vector_load %arg7[%swap3A_739, %swap3A_740, %swap3A_741] {strides = array<i32>} : memref<4x64x128xf32, #tpu.memory_space<vmem>>, vector<1x1x16xf32>,
      %swap3A_743 = vector.shape_cast %swap3A_742 : vector<1x1x16xf32> to vector<16xf32>
      %swap3A_744 = vector.shape_cast %add3A_737 : vector<16xf32> to vector<1x1x16xf32>
      tpu.vector_store %arg7[%swap3A_739, %swap3A_740, %swap3A_741], %swap3A_744 {strides = array<i32>} : memref<4x64x128xf32, #tpu.memory_space<vmem>>, vector<1x1x16xf32>,
    }
    %scan3A_426 = arith.constant 64 : i32
    %dma_start3A_427 = arith.constant 2 : i32
    %dma_start3A_428 = arith.constant 2 : i32
    %dma_start3A_429 = arith.constant 0 : i32
    %dma_start3A_430 = arith.constant 0 : i32
    %dma_start3A_431 = tpu.memref_slice %arg7[%dma_start3A_427, %dma_start3A_429, %dma_start3A_430] : memref<4x64x128xf32, #tpu.memory_space<vmem>> -> memref<1x64x128xf32, #tpu.memory_space<vmem>>
    %dma_start3A_432 = tpu.memref_squeeze %dma_start3A_431 : memref<1x64x128xf32, #tpu.memory_space<vmem>> -> memref<64x128xf32, #tpu.memory_space<vmem>>
    %dma_start3A_433 = arith.constant 0 : i32
    %dma_start3A_434 = arith.constant 0 : i32
    %dma_start3A_435 = tpu.memref_slice %arg5[%dma_start3A_428, %dma_start3A_433, %dma_start3A_434] : memref<4x2048x128xf32, #tpu.memory_space<hbm>> -> memref<1x2048x128xf32, #tpu.memory_space<hbm>>
    %dma_start3A_436 = tpu.memref_squeeze %dma_start3A_435 : memref<1x2048x128xf32, #tpu.memory_space<hbm>> -> memref<2048x128xf32, #tpu.memory_space<hbm>>
    %dma_start3A_437 = arith.constant 0 : i32
    %dma_start3A_438 = tpu.memref_slice %dma_start3A_436[%mul3A_2, %dma_start3A_437] : memref<2048x128xf32, #tpu.memory_space<hbm>> -> memref<64x128xf32, #tpu.memory_space<hbm>>
    %dma_start3A_439 = arith.constant 0 : i32
    %dma_start3A_440 = arith.constant 0 : i32
    %dma_start3A_441 = tpu.memref_slice %arg5[%dma_start3A_428, %dma_start3A_439, %dma_start3A_440] : memref<4x2048x128xf32, #tpu.memory_space<hbm>> -> memref<1x2048x128xf32, #tpu.memory_space<hbm>>
    %dma_start3A_442 = tpu.memref_squeeze %dma_start3A_441 : memref<1x2048x128xf32, #tpu.memory_space<hbm>> -> memref<2048x128xf32, #tpu.memory_space<hbm>>
    %dma_start3A_443 = arith.constant 0 : i32
    %dma_start3A_444 = tpu.memref_slice %dma_start3A_442[%mul3A_2, %dma_start3A_443] : memref<2048x128xf32, #tpu.memory_space<hbm>> -> memref<64x128xf32, #tpu.memory_space<hbm>>
    %dma_start3A_445 = arith.constant 0 : i32
    %dma_start3A_446 = arith.constant 0 : i32
    %dma_start3A_447 = tpu.memref_slice %arg7[%dma_start3A_427, %dma_start3A_445, %dma_start3A_446] : memref<4x64x128xf32, #tpu.memory_space<vmem>> -> memref<1x64x128xf32, #tpu.memory_space<vmem>>
    %dma_start3A_448 = tpu.memref_squeeze %dma_start3A_447 : memref<1x64x128xf32, #tpu.memory_space<vmem>> -> memref<64x128xf32, #tpu.memory_space<vmem>>
    tpu.enqueue_dma source(%dma_start3A_448 : memref<64x128xf32, #tpu.memory_space<vmem>>) target(%dma_start3A_444 : memref<64x128xf32, #tpu.memory_space<hbm>>) target_semaphore(%arg11 : memref<!tpu.dma_semaphore, #tpu.memory_space<semaphore_mem>>)
    %dma_wait3A_449 = arith.constant 3 : i32
    %dma_wait3A_450 = arith.constant 3 : i32
    %dma_wait3A_451 = arith.constant 0 : i32
    %dma_wait3A_452 = arith.constant 0 : i32
    %dma_wait3A_453 = tpu.memref_slice %arg7[%dma_wait3A_450, %dma_wait3A_451, %dma_wait3A_452] : memref<4x64x128xf32, #tpu.memory_space<vmem>> -> memref<1x64x128xf32, #tpu.memory_space<vmem>>
    %dma_wait3A_454 = tpu.memref_squeeze %dma_wait3A_453 : memref<1x64x128xf32, #tpu.memory_space<vmem>> -> memref<64x128xf32, #tpu.memory_space<vmem>>
    %dma_wait3A_455 = arith.constant 0 : i32
    %dma_wait3A_456 = tpu.memref_slice %arg6[%dma_wait3A_449, %dma_wait3A_455] : memref<4x64xi32, #tpu.memory_space<vmem>> -> memref<1x64xi32, #tpu.memory_space<vmem>>
    %dma_wait3A_457 = tpu.memref_squeeze %dma_wait3A_456 : memref<1x64xi32, #tpu.memory_space<vmem>> -> memref<64xi32, #tpu.memory_space<vmem>>
    %dma_wait3A_458 = arith.constant 0 : i32
    %dma_wait3A_459 = arith.constant 0 : i32
    %dma_wait3A_460 = tpu.memref_slice %arg3[%dma_wait3A_458, %dma_wait3A_459] : memref<100000x128xf32, #tpu.memory_space<hbm>> -> memref<100000x128xf32, #tpu.memory_space<hbm>>
    tpu.wait_indirect_dma semaphore(%arg10 : memref<!tpu.dma_semaphore, #tpu.memory_space<semaphore_mem>>) src(%dma_wait3A_460 : memref<100000x128xf32, #tpu.memory_space<hbm>>) dst(%dma_wait3A_454 : memref<64x128xf32, #tpu.memory_space<vmem>>)
    %scan3A_461 = arith.constant 0 : i32
    %scan3A_462 = arith.constant 0 : i32
    %scan3A_463 = arith.constant 64 : i32
    %scan3A_464 = arith.addi %scan3A_462, %scan3A_463 : i32
    %scan3A_465 = arith.constant 1 : i32
    scf.for %scan3A_577 = %scan3A_462 to %scan3A_464 step %scan3A_465  : i32 {
      %get3A_578 = arith.constant 3 : i32
      %get3A_579 = arith.index_cast %get3A_578 : i32 to index
      %get3A_580 = arith.index_cast %scan3A_577 : i32 to index
      %get3A_581 = arith.constant 0 : index
      %get3A_582 = tpu.vector_load %arg7[%get3A_579, %get3A_580, %get3A_581] {strides = array<i32>} : memref<4x64x128xf32, #tpu.memory_space<vmem>>, vector<1x1x16xf32>,
      %get3A_583 = vector.shape_cast %get3A_582 : vector<1x1x16xf32> to vector<16xf32>
      %mul3A_584 = arith.constant 11.3137083 : f32
      %mul3A_585 = vector.broadcast %mul3A_584 : f32 to vector<16xf32>
      %mul3A_586 = arith.mulf %get3A_583, %mul3A_585 : vector<16xf32>
      %get3A_587 = arith.index_cast %scan3A_577 : i32 to index
      %get3A_588 = arith.constant 0 : index
      %get3A_589 = tpu.vector_load %arg8[%get3A_587, %get3A_588] {strides = array<i32>} : memref<64x128xf32, #tpu.memory_space<vmem>>, vector<1x16xf32>,
      %get3A_590 = vector.shape_cast %get3A_589 : vector<1x16xf32> to vector<16xf32>
      %add3A_591 = arith.addf %mul3A_586, %get3A_590 : vector<16xf32>
      %swap3A = arith.constant 3 : i32
      %swap3A_592 = arith.index_cast %swap3A : i32 to index
      %swap3A_593 = arith.index_cast %scan3A_577 : i32 to index
      %swap3A_594 = arith.constant 0 : index
      %swap3A_595 = tpu.vector_load %arg7[%swap3A_592, %swap3A_593, %swap3A_594] {strides = array<i32>} : memref<4x64x128xf32, #tpu.memory_space<vmem>>, vector<1x1x16xf32>,
      %swap3A_596 = vector.shape_cast %swap3A_595 : vector<1x1x16xf32> to vector<16xf32>
      %swap3A_597 = vector.shape_cast %add3A_591 : vector<16xf32> to vector<1x1x16xf32>
      tpu.vector_store %arg7[%swap3A_592, %swap3A_593, %swap3A_594], %swap3A_597 {strides = array<i32>} : memref<4x64x128xf32, #tpu.memory_space<vmem>>, vector<1x1x16xf32>,
      %get3A_598 = arith.constant 3 : i32
      %get3A_599 = arith.index_cast %get3A_598 : i32 to index
      %get3A_600 = arith.index_cast %scan3A_577 : i32 to index
      %get3A_601 = arith.constant 16 : index
      %get3A_602 = tpu.vector_load %arg7[%get3A_599, %get3A_600, %get3A_601] {strides = array<i32>} : memref<4x64x128xf32, #tpu.memory_space<vmem>>, vector<1x1x16xf32>,
      %get3A_603 = vector.shape_cast %get3A_602 : vector<1x1x16xf32> to vector<16xf32>
      %mul3A_604 = arith.constant 11.3137083 : f32
      %mul3A_605 = vector.broadcast %mul3A_604 : f32 to vector<16xf32>
      %mul3A_606 = arith.mulf %get3A_603, %mul3A_605 : vector<16xf32>
      %get3A_607 = arith.index_cast %scan3A_577 : i32 to index
      %get3A_608 = arith.constant 16 : index
      %get3A_609 = tpu.vector_load %arg8[%get3A_607, %get3A_608] {strides = array<i32>} : memref<64x128xf32, #tpu.memory_space<vmem>>, vector<1x16xf32>,
      %get3A_610 = vector.shape_cast %get3A_609 : vector<1x16xf32> to vector<16xf32>
      %add3A_611 = arith.addf %mul3A_606, %get3A_610 : vector<16xf32>
      %swap3A_612 = arith.constant 3 : i32
      %swap3A_613 = arith.index_cast %swap3A_612 : i32 to index
      %swap3A_614 = arith.index_cast %scan3A_577 : i32 to index
      %swap3A_615 = arith.constant 16 : index
      %swap3A_616 = tpu.vector_load %arg7[%swap3A_613, %swap3A_614, %swap3A_615] {strides = array<i32>} : memref<4x64x128xf32, #tpu.memory_space<vmem>>, vector<1x1x16xf32>,
      %swap3A_617 = vector.shape_cast %swap3A_616 : vector<1x1x16xf32> to vector<16xf32>
      %swap3A_618 = vector.shape_cast %add3A_611 : vector<16xf32> to vector<1x1x16xf32>
      tpu.vector_store %arg7[%swap3A_613, %swap3A_614, %swap3A_615], %swap3A_618 {strides = array<i32>} : memref<4x64x128xf32, #tpu.memory_space<vmem>>, vector<1x1x16xf32>,
      %get3A_619 = arith.constant 3 : i32
      %get3A_620 = arith.index_cast %get3A_619 : i32 to index
      %get3A_621 = arith.index_cast %scan3A_577 : i32 to index
      %get3A_622 = arith.constant 32 : index
      %get3A_623 = tpu.vector_load %arg7[%get3A_620, %get3A_621, %get3A_622] {strides = array<i32>} : memref<4x64x128xf32, #tpu.memory_space<vmem>>, vector<1x1x16xf32>,
      %get3A_624 = vector.shape_cast %get3A_623 : vector<1x1x16xf32> to vector<16xf32>
      %mul3A_625 = arith.constant 11.3137083 : f32
      %mul3A_626 = vector.broadcast %mul3A_625 : f32 to vector<16xf32>
      %mul3A_627 = arith.mulf %get3A_624, %mul3A_626 : vector<16xf32>
      %get3A_628 = arith.index_cast %scan3A_577 : i32 to index
      %get3A_629 = arith.constant 32 : index
      %get3A_630 = tpu.vector_load %arg8[%get3A_628, %get3A_629] {strides = array<i32>} : memref<64x128xf32, #tpu.memory_space<vmem>>, vector<1x16xf32>,
      %get3A_631 = vector.shape_cast %get3A_630 : vector<1x16xf32> to vector<16xf32>
      %add3A_632 = arith.addf %mul3A_627, %get3A_631 : vector<16xf32>
      %swap3A_633 = arith.constant 3 : i32
      %swap3A_634 = arith.index_cast %swap3A_633 : i32 to index
      %swap3A_635 = arith.index_cast %scan3A_577 : i32 to index
      %swap3A_636 = arith.constant 32 : index
      %swap3A_637 = tpu.vector_load %arg7[%swap3A_634, %swap3A_635, %swap3A_636] {strides = array<i32>} : memref<4x64x128xf32, #tpu.memory_space<vmem>>, vector<1x1x16xf32>,
      %swap3A_638 = vector.shape_cast %swap3A_637 : vector<1x1x16xf32> to vector<16xf32>
      %swap3A_639 = vector.shape_cast %add3A_632 : vector<16xf32> to vector<1x1x16xf32>
      tpu.vector_store %arg7[%swap3A_634, %swap3A_635, %swap3A_636], %swap3A_639 {strides = array<i32>} : memref<4x64x128xf32, #tpu.memory_space<vmem>>, vector<1x1x16xf32>,
      %get3A_640 = arith.constant 3 : i32
      %get3A_641 = arith.index_cast %get3A_640 : i32 to index
      %get3A_642 = arith.index_cast %scan3A_577 : i32 to index
      %get3A_643 = arith.constant 48 : index
      %get3A_644 = tpu.vector_load %arg7[%get3A_641, %get3A_642, %get3A_643] {strides = array<i32>} : memref<4x64x128xf32, #tpu.memory_space<vmem>>, vector<1x1x16xf32>,
      %get3A_645 = vector.shape_cast %get3A_644 : vector<1x1x16xf32> to vector<16xf32>
      %mul3A_646 = arith.constant 11.3137083 : f32
      %mul3A_647 = vector.broadcast %mul3A_646 : f32 to vector<16xf32>
      %mul3A_648 = arith.mulf %get3A_645, %mul3A_647 : vector<16xf32>
      %get3A_649 = arith.index_cast %scan3A_577 : i32 to index
      %get3A_650 = arith.constant 48 : index
      %get3A_651 = tpu.vector_load %arg8[%get3A_649, %get3A_650] {strides = array<i32>} : memref<64x128xf32, #tpu.memory_space<vmem>>, vector<1x16xf32>,
      %get3A_652 = vector.shape_cast %get3A_651 : vector<1x16xf32> to vector<16xf32>
      %add3A_653 = arith.addf %mul3A_648, %get3A_652 : vector<16xf32>
      %swap3A_654 = arith.constant 3 : i32
      %swap3A_655 = arith.index_cast %swap3A_654 : i32 to index
      %swap3A_656 = arith.index_cast %scan3A_577 : i32 to index
      %swap3A_657 = arith.constant 48 : index
      %swap3A_658 = tpu.vector_load %arg7[%swap3A_655, %swap3A_656, %swap3A_657] {strides = array<i32>} : memref<4x64x128xf32, #tpu.memory_space<vmem>>, vector<1x1x16xf32>,
      %swap3A_659 = vector.shape_cast %swap3A_658 : vector<1x1x16xf32> to vector<16xf32>
      %swap3A_660 = vector.shape_cast %add3A_653 : vector<16xf32> to vector<1x1x16xf32>
      tpu.vector_store %arg7[%swap3A_655, %swap3A_656, %swap3A_657], %swap3A_660 {strides = array<i32>} : memref<4x64x128xf32, #tpu.memory_space<vmem>>, vector<1x1x16xf32>,
      %get3A_661 = arith.constant 3 : i32
      %get3A_662 = arith.index_cast %get3A_661 : i32 to index
      %get3A_663 = arith.index_cast %scan3A_577 : i32 to index
      %get3A_664 = arith.constant 64 : index
      %get3A_665 = tpu.vector_load %arg7[%get3A_662, %get3A_663, %get3A_664] {strides = array<i32>} : memref<4x64x128xf32, #tpu.memory_space<vmem>>, vector<1x1x16xf32>,
      %get3A_666 = vector.shape_cast %get3A_665 : vector<1x1x16xf32> to vector<16xf32>
      %mul3A_667 = arith.constant 11.3137083 : f32
      %mul3A_668 = vector.broadcast %mul3A_667 : f32 to vector<16xf32>
      %mul3A_669 = arith.mulf %get3A_666, %mul3A_668 : vector<16xf32>
      %get3A_670 = arith.index_cast %scan3A_577 : i32 to index
      %get3A_671 = arith.constant 64 : index
      %get3A_672 = tpu.vector_load %arg8[%get3A_670, %get3A_671] {strides = array<i32>} : memref<64x128xf32, #tpu.memory_space<vmem>>, vector<1x16xf32>,
      %get3A_673 = vector.shape_cast %get3A_672 : vector<1x16xf32> to vector<16xf32>
      %add3A_674 = arith.addf %mul3A_669, %get3A_673 : vector<16xf32>
      %swap3A_675 = arith.constant 3 : i32
      %swap3A_676 = arith.index_cast %swap3A_675 : i32 to index
      %swap3A_677 = arith.index_cast %scan3A_577 : i32 to index
      %swap3A_678 = arith.constant 64 : index
      %swap3A_679 = tpu.vector_load %arg7[%swap3A_676, %swap3A_677, %swap3A_678] {strides = array<i32>} : memref<4x64x128xf32, #tpu.memory_space<vmem>>, vector<1x1x16xf32>,
      %swap3A_680 = vector.shape_cast %swap3A_679 : vector<1x1x16xf32> to vector<16xf32>
      %swap3A_681 = vector.shape_cast %add3A_674 : vector<16xf32> to vector<1x1x16xf32>
      tpu.vector_store %arg7[%swap3A_676, %swap3A_677, %swap3A_678], %swap3A_681 {strides = array<i32>} : memref<4x64x128xf32, #tpu.memory_space<vmem>>, vector<1x1x16xf32>,
      %get3A_682 = arith.constant 3 : i32
      %get3A_683 = arith.index_cast %get3A_682 : i32 to index
      %get3A_684 = arith.index_cast %scan3A_577 : i32 to index
      %get3A_685 = arith.constant 80 : index
      %get3A_686 = tpu.vector_load %arg7[%get3A_683, %get3A_684, %get3A_685] {strides = array<i32>} : memref<4x64x128xf32, #tpu.memory_space<vmem>>, vector<1x1x16xf32>,
      %get3A_687 = vector.shape_cast %get3A_686 : vector<1x1x16xf32> to vector<16xf32>
      %mul3A_688 = arith.constant 11.3137083 : f32
      %mul3A_689 = vector.broadcast %mul3A_688 : f32 to vector<16xf32>
      %mul3A_690 = arith.mulf %get3A_687, %mul3A_689 : vector<16xf32>
      %get3A_691 = arith.index_cast %scan3A_577 : i32 to index
      %get3A_692 = arith.constant 80 : index
      %get3A_693 = tpu.vector_load %arg8[%get3A_691, %get3A_692] {strides = array<i32>} : memref<64x128xf32, #tpu.memory_space<vmem>>, vector<1x16xf32>,
      %get3A_694 = vector.shape_cast %get3A_693 : vector<1x16xf32> to vector<16xf32>
      %add3A_695 = arith.addf %mul3A_690, %get3A_694 : vector<16xf32>
      %swap3A_696 = arith.constant 3 : i32
      %swap3A_697 = arith.index_cast %swap3A_696 : i32 to index
      %swap3A_698 = arith.index_cast %scan3A_577 : i32 to index
      %swap3A_699 = arith.constant 80 : index
      %swap3A_700 = tpu.vector_load %arg7[%swap3A_697, %swap3A_698, %swap3A_699] {strides = array<i32>} : memref<4x64x128xf32, #tpu.memory_space<vmem>>, vector<1x1x16xf32>,
      %swap3A_701 = vector.shape_cast %swap3A_700 : vector<1x1x16xf32> to vector<16xf32>
      %swap3A_702 = vector.shape_cast %add3A_695 : vector<16xf32> to vector<1x1x16xf32>
      tpu.vector_store %arg7[%swap3A_697, %swap3A_698, %swap3A_699], %swap3A_702 {strides = array<i32>} : memref<4x64x128xf32, #tpu.memory_space<vmem>>, vector<1x1x16xf32>,
      %get3A_703 = arith.constant 3 : i32
      %get3A_704 = arith.index_cast %get3A_703 : i32 to index
      %get3A_705 = arith.index_cast %scan3A_577 : i32 to index
      %get3A_706 = arith.constant 96 : index
      %get3A_707 = tpu.vector_load %arg7[%get3A_704, %get3A_705, %get3A_706] {strides = array<i32>} : memref<4x64x128xf32, #tpu.memory_space<vmem>>, vector<1x1x16xf32>,
      %get3A_708 = vector.shape_cast %get3A_707 : vector<1x1x16xf32> to vector<16xf32>
      %mul3A_709 = arith.constant 11.3137083 : f32
      %mul3A_710 = vector.broadcast %mul3A_709 : f32 to vector<16xf32>
      %mul3A_711 = arith.mulf %get3A_708, %mul3A_710 : vector<16xf32>
      %get3A_712 = arith.index_cast %scan3A_577 : i32 to index
      %get3A_713 = arith.constant 96 : index
      %get3A_714 = tpu.vector_load %arg8[%get3A_712, %get3A_713] {strides = array<i32>} : memref<64x128xf32, #tpu.memory_space<vmem>>, vector<1x16xf32>,
      %get3A_715 = vector.shape_cast %get3A_714 : vector<1x16xf32> to vector<16xf32>
      %add3A_716 = arith.addf %mul3A_711, %get3A_715 : vector<16xf32>
      %swap3A_717 = arith.constant 3 : i32
      %swap3A_718 = arith.index_cast %swap3A_717 : i32 to index
      %swap3A_719 = arith.index_cast %scan3A_577 : i32 to index
      %swap3A_720 = arith.constant 96 : index
      %swap3A_721 = tpu.vector_load %arg7[%swap3A_718, %swap3A_719, %swap3A_720] {strides = array<i32>} : memref<4x64x128xf32, #tpu.memory_space<vmem>>, vector<1x1x16xf32>,
      %swap3A_722 = vector.shape_cast %swap3A_721 : vector<1x1x16xf32> to vector<16xf32>
      %swap3A_723 = vector.shape_cast %add3A_716 : vector<16xf32> to vector<1x1x16xf32>
      tpu.vector_store %arg7[%swap3A_718, %swap3A_719, %swap3A_720], %swap3A_723 {strides = array<i32>} : memref<4x64x128xf32, #tpu.memory_space<vmem>>, vector<1x1x16xf32>,
      %get3A_724 = arith.constant 3 : i32
      %get3A_725 = arith.index_cast %get3A_724 : i32 to index
      %get3A_726 = arith.index_cast %scan3A_577 : i32 to index
      %get3A_727 = arith.constant 112 : index
      %get3A_728 = tpu.vector_load %arg7[%get3A_725, %get3A_726, %get3A_727] {strides = array<i32>} : memref<4x64x128xf32, #tpu.memory_space<vmem>>, vector<1x1x16xf32>,
      %get3A_729 = vector.shape_cast %get3A_728 : vector<1x1x16xf32> to vector<16xf32>
      %mul3A_730 = arith.constant 11.3137083 : f32
      %mul3A_731 = vector.broadcast %mul3A_730 : f32 to vector<16xf32>
      %mul3A_732 = arith.mulf %get3A_729, %mul3A_731 : vector<16xf32>
      %get3A_733 = arith.index_cast %scan3A_577 : i32 to index
      %get3A_734 = arith.constant 112 : index
      %get3A_735 = tpu.vector_load %arg8[%get3A_733, %get3A_734] {strides = array<i32>} : memref<64x128xf32, #tpu.memory_space<vmem>>, vector<1x16xf32>,
      %get3A_736 = vector.shape_cast %get3A_735 : vector<1x16xf32> to vector<16xf32>
      %add3A_737 = arith.addf %mul3A_732, %get3A_736 : vector<16xf32>
      %swap3A_738 = arith.constant 3 : i32
      %swap3A_739 = arith.index_cast %swap3A_738 : i32 to index
      %swap3A_740 = arith.index_cast %scan3A_577 : i32 to index
      %swap3A_741 = arith.constant 112 : index
      %swap3A_742 = tpu.vector_load %arg7[%swap3A_739, %swap3A_740, %swap3A_741] {strides = array<i32>} : memref<4x64x128xf32, #tpu.memory_space<vmem>>, vector<1x1x16xf32>,
      %swap3A_743 = vector.shape_cast %swap3A_742 : vector<1x1x16xf32> to vector<16xf32>
      %swap3A_744 = vector.shape_cast %add3A_737 : vector<16xf32> to vector<1x1x16xf32>
      tpu.vector_store %arg7[%swap3A_739, %swap3A_740, %swap3A_741], %swap3A_744 {strides = array<i32>} : memref<4x64x128xf32, #tpu.memory_space<vmem>>, vector<1x1x16xf32>,
    }
    %scan3A_466 = arith.constant 64 : i32
    %dma_start3A_467 = arith.constant 3 : i32
    %dma_start3A_468 = arith.constant 3 : i32
    %dma_start3A_469 = arith.constant 0 : i32
    %dma_start3A_470 = arith.constant 0 : i32
    %dma_start3A_471 = tpu.memref_slice %arg7[%dma_start3A_467, %dma_start3A_469, %dma_start3A_470] : memref<4x64x128xf32, #tpu.memory_space<vmem>> -> memref<1x64x128xf32, #tpu.memory_space<vmem>>
    %dma_start3A_472 = tpu.memref_squeeze %dma_start3A_471 : memref<1x64x128xf32, #tpu.memory_space<vmem>> -> memref<64x128xf32, #tpu.memory_space<vmem>>
    %dma_start3A_473 = arith.constant 0 : i32
    %dma_start3A_474 = arith.constant 0 : i32
    %dma_start3A_475 = tpu.memref_slice %arg5[%dma_start3A_468, %dma_start3A_473, %dma_start3A_474] : memref<4x2048x128xf32, #tpu.memory_space<hbm>> -> memref<1x2048x128xf32, #tpu.memory_space<hbm>>
    %dma_start3A_476 = tpu.memref_squeeze %dma_start3A_475 : memref<1x2048x128xf32, #tpu.memory_space<hbm>> -> memref<2048x128xf32, #tpu.memory_space<hbm>>
    %dma_start3A_477 = arith.constant 0 : i32
    %dma_start3A_478 = tpu.memref_slice %dma_start3A_476[%mul3A_2, %dma_start3A_477] : memref<2048x128xf32, #tpu.memory_space<hbm>> -> memref<64x128xf32, #tpu.memory_space<hbm>>
    %dma_start3A_479 = arith.constant 0 : i32
    %dma_start3A_480 = arith.constant 0 : i32
    %dma_start3A_481 = tpu.memref_slice %arg5[%dma_start3A_468, %dma_start3A_479, %dma_start3A_480] : memref<4x2048x128xf32, #tpu.memory_space<hbm>> -> memref<1x2048x128xf32, #tpu.memory_space<hbm>>
    %dma_start3A_482 = tpu.memref_squeeze %dma_start3A_481 : memref<1x2048x128xf32, #tpu.memory_space<hbm>> -> memref<2048x128xf32, #tpu.memory_space<hbm>>
    %dma_start3A_483 = arith.constant 0 : i32
    %dma_start3A_484 = tpu.memref_slice %dma_start3A_482[%mul3A_2, %dma_start3A_483] : memref<2048x128xf32, #tpu.memory_space<hbm>> -> memref<64x128xf32, #tpu.memory_space<hbm>>
    %dma_start3A_485 = arith.constant 0 : i32
    %dma_start3A_486 = arith.constant 0 : i32
    %dma_start3A_487 = tpu.memref_slice %arg7[%dma_start3A_467, %dma_start3A_485, %dma_start3A_486] : memref<4x64x128xf32, #tpu.memory_space<vmem>> -> memref<1x64x128xf32, #tpu.memory_space<vmem>>
    %dma_start3A_488 = tpu.memref_squeeze %dma_start3A_487 : memref<1x64x128xf32, #tpu.memory_space<vmem>> -> memref<64x128xf32, #tpu.memory_space<vmem>>
    tpu.enqueue_dma source(%dma_start3A_488 : memref<64x128xf32, #tpu.memory_space<vmem>>) target(%dma_start3A_484 : memref<64x128xf32, #tpu.memory_space<hbm>>) target_semaphore(%arg11 : memref<!tpu.dma_semaphore, #tpu.memory_space<semaphore_mem>>)
    %dma_wait3A_489 = arith.constant 0 : i32
    %dma_wait3A_490 = arith.constant 0 : i32
    %dma_wait3A_491 = arith.constant 0 : i32
    %dma_wait3A_492 = arith.constant 0 : i32
    %dma_wait3A_493 = tpu.memref_slice %arg7[%dma_wait3A_489, %dma_wait3A_491, %dma_wait3A_492] : memref<4x64x128xf32, #tpu.memory_space<vmem>> -> memref<1x64x128xf32, #tpu.memory_space<vmem>>
    %dma_wait3A_494 = tpu.memref_squeeze %dma_wait3A_493 : memref<1x64x128xf32, #tpu.memory_space<vmem>> -> memref<64x128xf32, #tpu.memory_space<vmem>>
    %dma_wait3A_495 = arith.constant 0 : i32
    %dma_wait3A_496 = arith.constant 0 : i32
    %dma_wait3A_497 = tpu.memref_slice %arg5[%dma_wait3A_490, %dma_wait3A_495, %dma_wait3A_496] : memref<4x2048x128xf32, #tpu.memory_space<hbm>> -> memref<1x2048x128xf32, #tpu.memory_space<hbm>>
    %dma_wait3A_498 = tpu.memref_squeeze %dma_wait3A_497 : memref<1x2048x128xf32, #tpu.memory_space<hbm>> -> memref<2048x128xf32, #tpu.memory_space<hbm>>
    %dma_wait3A_499 = arith.constant 0 : i32
    %dma_wait3A_500 = tpu.memref_slice %dma_wait3A_498[%mul3A_2, %dma_wait3A_499] : memref<2048x128xf32, #tpu.memory_space<hbm>> -> memref<64x128xf32, #tpu.memory_space<hbm>>
    %dma_wait3A_501 = arith.constant 0 : i32
    %dma_wait3A_502 = arith.constant 0 : i32
    %dma_wait3A_503 = tpu.memref_slice %arg5[%dma_wait3A_490, %dma_wait3A_501, %dma_wait3A_502] : memref<4x2048x128xf32, #tpu.memory_space<hbm>> -> memref<1x2048x128xf32, #tpu.memory_space<hbm>>
    %dma_wait3A_504 = tpu.memref_squeeze %dma_wait3A_503 : memref<1x2048x128xf32, #tpu.memory_space<hbm>> -> memref<2048x128xf32, #tpu.memory_space<hbm>>
    %dma_wait3A_505 = arith.constant 0 : i32
    %dma_wait3A_506 = tpu.memref_slice %dma_wait3A_504[%mul3A_2, %dma_wait3A_505] : memref<2048x128xf32, #tpu.memory_space<hbm>> -> memref<64x128xf32, #tpu.memory_space<hbm>>
    %dma_wait3A_507 = arith.constant 0 : i32
    %dma_wait3A_508 = arith.constant 0 : i32
    %dma_wait3A_509 = tpu.memref_slice %arg7[%dma_wait3A_489, %dma_wait3A_507, %dma_wait3A_508] : memref<4x64x128xf32, #tpu.memory_space<vmem>> -> memref<1x64x128xf32, #tpu.memory_space<vmem>>
    %dma_wait3A_510 = tpu.memref_squeeze %dma_wait3A_509 : memref<1x64x128xf32, #tpu.memory_space<vmem>> -> memref<64x128xf32, #tpu.memory_space<vmem>>
    tpu.wait_dma2 semaphore(%arg11 : memref<!tpu.dma_semaphore, #tpu.memory_space<semaphore_mem>>) src(%dma_wait3A_510 : memref<64x128xf32, #tpu.memory_space<vmem>>) dst(%dma_wait3A_506 : memref<64x128xf32, #tpu.memory_space<hbm>>)
    %dma_wait3A_511 = arith.constant 1 : i32
    %dma_wait3A_512 = arith.constant 1 : i32
    %dma_wait3A_513 = arith.constant 0 : i32
    %dma_wait3A_514 = arith.constant 0 : i32
    %dma_wait3A_515 = tpu.memref_slice %arg7[%dma_wait3A_511, %dma_wait3A_513, %dma_wait3A_514] : memref<4x64x128xf32, #tpu.memory_space<vmem>> -> memref<1x64x128xf32, #tpu.memory_space<vmem>>
    %dma_wait3A_516 = tpu.memref_squeeze %dma_wait3A_515 : memref<1x64x128xf32, #tpu.memory_space<vmem>> -> memref<64x128xf32, #tpu.memory_space<vmem>>
    %dma_wait3A_517 = arith.constant 0 : i32
    %dma_wait3A_518 = arith.constant 0 : i32
    %dma_wait3A_519 = tpu.memref_slice %arg5[%dma_wait3A_512, %dma_wait3A_517, %dma_wait3A_518] : memref<4x2048x128xf32, #tpu.memory_space<hbm>> -> memref<1x2048x128xf32, #tpu.memory_space<hbm>>
    %dma_wait3A_520 = tpu.memref_squeeze %dma_wait3A_519 : memref<1x2048x128xf32, #tpu.memory_space<hbm>> -> memref<2048x128xf32, #tpu.memory_space<hbm>>
    %dma_wait3A_521 = arith.constant 0 : i32
    %dma_wait3A_522 = tpu.memref_slice %dma_wait3A_520[%mul3A_2, %dma_wait3A_521] : memref<2048x128xf32, #tpu.memory_space<hbm>> -> memref<64x128xf32, #tpu.memory_space<hbm>>
    %dma_wait3A_523 = arith.constant 0 : i32
    %dma_wait3A_524 = arith.constant 0 : i32
    %dma_wait3A_525 = tpu.memref_slice %arg5[%dma_wait3A_512, %dma_wait3A_523, %dma_wait3A_524] : memref<4x2048x128xf32, #tpu.memory_space<hbm>> -> memref<1x2048x128xf32, #tpu.memory_space<hbm>>
    %dma_wait3A_526 = tpu.memref_squeeze %dma_wait3A_525 : memref<1x2048x128xf32, #tpu.memory_space<hbm>> -> memref<2048x128xf32, #tpu.memory_space<hbm>>
    %dma_wait3A_527 = arith.constant 0 : i32
    %dma_wait3A_528 = tpu.memref_slice %dma_wait3A_526[%mul3A_2, %dma_wait3A_527] : memref<2048x128xf32, #tpu.memory_space<hbm>> -> memref<64x128xf32, #tpu.memory_space<hbm>>
    %dma_wait3A_529 = arith.constant 0 : i32
    %dma_wait3A_530 = arith.constant 0 : i32
    %dma_wait3A_531 = tpu.memref_slice %arg7[%dma_wait3A_511, %dma_wait3A_529, %dma_wait3A_530] : memref<4x64x128xf32, #tpu.memory_space<vmem>> -> memref<1x64x128xf32, #tpu.memory_space<vmem>>
    %dma_wait3A_532 = tpu.memref_squeeze %dma_wait3A_531 : memref<1x64x128xf32, #tpu.memory_space<vmem>> -> memref<64x128xf32, #tpu.memory_space<vmem>>
    tpu.wait_dma2 semaphore(%arg11 : memref<!tpu.dma_semaphore, #tpu.memory_space<semaphore_mem>>) src(%dma_wait3A_532 : memref<64x128xf32, #tpu.memory_space<vmem>>) dst(%dma_wait3A_528 : memref<64x128xf32, #tpu.memory_space<hbm>>)
    %dma_wait3A_533 = arith.constant 2 : i32
    %dma_wait3A_534 = arith.constant 2 : i32
    %dma_wait3A_535 = arith.constant 0 : i32
    %dma_wait3A_536 = arith.constant 0 : i32
    %dma_wait3A_537 = tpu.memref_slice %arg7[%dma_wait3A_533, %dma_wait3A_535, %dma_wait3A_536] : memref<4x64x128xf32, #tpu.memory_space<vmem>> -> memref<1x64x128xf32, #tpu.memory_space<vmem>>
    %dma_wait3A_538 = tpu.memref_squeeze %dma_wait3A_537 : memref<1x64x128xf32, #tpu.memory_space<vmem>> -> memref<64x128xf32, #tpu.memory_space<vmem>>
    %dma_wait3A_539 = arith.constant 0 : i32
    %dma_wait3A_540 = arith.constant 0 : i32
    %dma_wait3A_541 = tpu.memref_slice %arg5[%dma_wait3A_534, %dma_wait3A_539, %dma_wait3A_540] : memref<4x2048x128xf32, #tpu.memory_space<hbm>> -> memref<1x2048x128xf32, #tpu.memory_space<hbm>>
    %dma_wait3A_542 = tpu.memref_squeeze %dma_wait3A_541 : memref<1x2048x128xf32, #tpu.memory_space<hbm>> -> memref<2048x128xf32, #tpu.memory_space<hbm>>
    %dma_wait3A_543 = arith.constant 0 : i32
    %dma_wait3A_544 = tpu.memref_slice %dma_wait3A_542[%mul3A_2, %dma_wait3A_543] : memref<2048x128xf32, #tpu.memory_space<hbm>> -> memref<64x128xf32, #tpu.memory_space<hbm>>
    %dma_wait3A_545 = arith.constant 0 : i32
    %dma_wait3A_546 = arith.constant 0 : i32
    %dma_wait3A_547 = tpu.memref_slice %arg5[%dma_wait3A_534, %dma_wait3A_545, %dma_wait3A_546] : memref<4x2048x128xf32, #tpu.memory_space<hbm>> -> memref<1x2048x128xf32, #tpu.memory_space<hbm>>
    %dma_wait3A_548 = tpu.memref_squeeze %dma_wait3A_547 : memref<1x2048x128xf32, #tpu.memory_space<hbm>> -> memref<2048x128xf32, #tpu.memory_space<hbm>>
    %dma_wait3A_549 = arith.constant 0 : i32
    %dma_wait3A_550 = tpu.memref_slice %dma_wait3A_548[%mul3A_2, %dma_wait3A_549] : memref<2048x128xf32, #tpu.memory_space<hbm>> -> memref<64x128xf32, #tpu.memory_space<hbm>>
    %dma_wait3A_551 = arith.constant 0 : i32
    %dma_wait3A_552 = arith.constant 0 : i32
    %dma_wait3A_553 = tpu.memref_slice %arg7[%dma_wait3A_533, %dma_wait3A_551, %dma_wait3A_552] : memref<4x64x128xf32, #tpu.memory_space<vmem>> -> memref<1x64x128xf32, #tpu.memory_space<vmem>>
    %dma_wait3A_554 = tpu.memref_squeeze %dma_wait3A_553 : memref<1x64x128xf32, #tpu.memory_space<vmem>> -> memref<64x128xf32, #tpu.memory_space<vmem>>
    tpu.wait_dma2 semaphore(%arg11 : memref<!tpu.dma_semaphore, #tpu.memory_space<semaphore_mem>>) src(%dma_wait3A_554 : memref<64x128xf32, #tpu.memory_space<vmem>>) dst(%dma_wait3A_550 : memref<64x128xf32, #tpu.memory_space<hbm>>)
    %dma_wait3A_555 = arith.constant 3 : i32
    %dma_wait3A_556 = arith.constant 3 : i32
    %dma_wait3A_557 = arith.constant 0 : i32
    %dma_wait3A_558 = arith.constant 0 : i32
    %dma_wait3A_559 = tpu.memref_slice %arg7[%dma_wait3A_555, %dma_wait3A_557, %dma_wait3A_558] : memref<4x64x128xf32, #tpu.memory_space<vmem>> -> memref<1x64x128xf32, #tpu.memory_space<vmem>>
    %dma_wait3A_560 = tpu.memref_squeeze %dma_wait3A_559 : memref<1x64x128xf32, #tpu.memory_space<vmem>> -> memref<64x128xf32, #tpu.memory_space<vmem>>
    %dma_wait3A_561 = arith.constant 0 : i32
    %dma_wait3A_562 = arith.constant 0 : i32
    %dma_wait3A_563 = tpu.memref_slice %arg5[%dma_wait3A_556, %dma_wait3A_561, %dma_wait3A_562] : memref<4x2048x128xf32, #tpu.memory_space<hbm>> -> memref<1x2048x128xf32, #tpu.memory_space<hbm>>
    %dma_wait3A_564 = tpu.memref_squeeze %dma_wait3A_563 : memref<1x2048x128xf32, #tpu.memory_space<hbm>> -> memref<2048x128xf32, #tpu.memory_space<hbm>>
    %dma_wait3A_565 = arith.constant 0 : i32
    %dma_wait3A_566 = tpu.memref_slice %dma_wait3A_564[%mul3A_2, %dma_wait3A_565] : memref<2048x128xf32, #tpu.memory_space<hbm>> -> memref<64x128xf32, #tpu.memory_space<hbm>>
    %dma_wait3A_567 = arith.constant 0 : i32
    %dma_wait3A_568 = arith.constant 0 : i32
    %dma_wait3A_569 = tpu.memref_slice %arg5[%dma_wait3A_556, %dma_wait3A_567, %dma_wait3A_568] : memref<4x2048x128xf32, #tpu.memory_space<hbm>> -> memref<1x2048x128xf32, #tpu.memory_space<hbm>>
    %dma_wait3A_570 = tpu.memref_squeeze %dma_wait3A_569 : memref<1x2048x128xf32, #tpu.memory_space<hbm>> -> memref<2048x128xf32, #tpu.memory_space<hbm>>
    %dma_wait3A_571 = arith.constant 0 : i32
    %dma_wait3A_572 = tpu.memref_slice %dma_wait3A_570[%mul3A_2, %dma_wait3A_571] : memref<2048x128xf32, #tpu.memory_space<hbm>> -> memref<64x128xf32, #tpu.memory_space<hbm>>
    %dma_wait3A_573 = arith.constant 0 : i32
    %dma_wait3A_574 = arith.constant 0 : i32
    %dma_wait3A_575 = tpu.memref_slice %arg7[%dma_wait3A_555, %dma_wait3A_573, %dma_wait3A_574] : memref<4x64x128xf32, #tpu.memory_space<vmem>> -> memref<1x64x128xf32, #tpu.memory_space<vmem>>
    %dma_wait3A_576 = tpu.memref_squeeze %dma_wait3A_575 : memref<1x64x128xf32, #tpu.memory_space<vmem>> -> memref<64x128xf32, #tpu.memory_space<vmem>>
    tpu.wait_dma2 semaphore(%arg11 : memref<!tpu.dma_semaphore, #tpu.memory_space<semaphore_mem>>) src(%dma_wait3A_576 : memref<64x128xf32, #tpu.memory_space<vmem>>) dst(%dma_wait3A_572 : memref<64x128xf32, #tpu.memory_space<hbm>>)
    return
  }
}

</mosaic_0001>

<sc_bundles>
// kernel: kernel.3.cloned.1.call-start
scs
__scs_entry_jumppad:
0x0: {  	(pc) =	sbr.rel $0x88, $3  }
0x1: {  	(tag) =	ssettag $0x0;
	lr =	simm.s32 $0x1  }
0x2: {  	[smem:$0x3F9F] =	sst lr;
	_ =	strace $0xD0000000  }
0x3: {  	_ = 	snop  }
0x4: {  	_ = 	snop  }
0x5: {  	_ = 	snop  }
0x6: {  	_ = 	snop  }
0x7: {  	_ = 	snop  }
__scs_overlays_trampoline_lowered:
0x8: {  	[smem:$0x3FAE] =	sst s0  }
0x9: {  	[smem:$0x3FAF] =	sst s1  }
0xa: {  	[smem:$0x3FB0] =	sst s2  }
0xb: {  	[smem:$0x3FB1] =	sst s3  }
0xc: {  	[smem:$0x3FB2] =	sst s4  }
0xd: {  	[smem:$0x3FB3] =	sst s5  }
0xe: {  	[smem:$0x3FB4] =	sst s6  }
0xf: {  	[smem:$0x3FB5] =	sst s7  }
0x10: {  	[smem:$0x3FB6] =	sst s8  }
0x11: {  	[smem:$0x3FB7] =	sst s9;
	s0 =	simm.s32 @!p0 $0x0  }
0x12: {  	s1 =	sld [smem:$0x3F9D];
	s0 =	simm.s32 @p0 $0x1  }
0x13: {  	[smem:$0x3FB8] =	sst s0;
	s0 =	simm.s32 @!p1 $0x0  }
0x14: {  	s2 =	sld [smem:$0x3F9C];
	s0 =	simm.s32 @p1 $0x1  }
0x15: {  	[smem:$0x3FB9] =	sst s0;
	s0 =	simm.s32 @!p2 $0x0  }
0x16: {  	s3 =	sld [smem:$0x3FDB];
	s0 =	simm.s32 @p2 $0x1  }
0x17: {  	s4 =	simm.s32 $0x1BF5;
	[smem:$0x3FBB] =	sst s0  }
0x18: {  	s0 =	sld [smem:$0x3F9E];
	_ =	swait.ge [sflag:s4], $0x0  }
0x19: {  	s7 =	sld [smem:$0x3F9F]  }
0x1a: {  	s8 =	sadd.s32 $0xFFFFE003, lr  }
0x1b: {  	s9 =	sadd.s32 $0xFFFFFEF7, lr;
	s5 =	simm.s32 $0xFFFFFFFF;
	p2 =	slt.u32 s8, $0xFFFFF086  }
0x1c: {  	p1 =	slt.u32 s9, $0xF7A;
	s5 =	simm.s32 @!p2 $0x0  }
0x1d: {  	s5 =	simm.s32 @p1 $0x1;
	p0 =	seq.s32 s7, s2  }
0x1e: {  	s7 =	smul.u32 @!p0 $0xF7A, s2;
	p2 =	seq.s32 @!p0 s5, $0x0  }
0x1f: {  	s9 =	smul.u32 $0xF7A, s1;
	s8 =	simm.s32 @!p0 $0x1BF5;
	p2 =	por !p2, p0  }
0x20: {  	[sflag:s8] =	ssyncset.s32 @!p0 $0xFFFFF086;
	s6 =	sadd.s32 @!p0 s3, s7;
	s7 =	simm.s32 @!p0 $0x108  }
0x21: {  	s3 =	sadd.s32 s3, s9;
	s6 =	sadd.s32 @!p0 $0x88, s6;
	s7 =	simm.s32 @p2 $0x1082  }
0x22: {  	[simem:s7], [sflag:s8] =	dma.local @!p0 [hbm:s6], $0xF7A  }
0x23: {  	s9 =	sor.u32 $0xD0000000, s2;
	s6 =	simm.s32 $0x108;
	_ =	swait.ge @!p0 [sflag:s8], $0x0  }
0x24: {  	s3 =	sadd.s32 $0x88, s3;
	s6 =	simm.s32 @!p1 $0x1082;
	[sflag:s4] =	ssyncset.s32 $0xFFFFF086  }
0x25: {  	[simem:s6], [sflag:s4] =	dma.local [hbm:s3], $0xF7A  }
0x26: {  	[smem:$0x3F9F] =	sst s1;
	(tag) =	ssettag s2;
	_ =	strace s9  }
0x27: {  	s1 =	sld [smem:$0x3FAF]  }
0x28: {  	s2 =	sld [smem:$0x3FB0]  }
0x29: {  	s4 =	sld [smem:$0x3FB2]  }
0x2a: {  	p0 =	seq.s32 s5, $0x0;
	s5 =	sld [smem:$0x3FB3]  }
0x2b: {  	s6 =	sld [smem:$0x3FB4]  }
0x2c: {  	s7 =	sld [smem:$0x3FB5]  }
0x2d: {  	s3 =	simm.s32 $0x108;
	s8 =	sld [smem:$0x3FB6]  }
0x2e: {  	s3 =	simm.s32 @!p0 $0x1082;
	s9 =	sld [smem:$0x3FB7]  }
0x2f: {  	lr =	sadd.s32 s0, s3;
	s0 =	sld [smem:$0x3FAE]  }
0x30: {  	s3 =	sld [smem:$0x3FB1]  }
0x31: {  	[smem:$0x3FBA] =	sst s10  }
0x32: {  	s10 =	sld [smem:$0x3FB8];
	_ =	sdelay $0x3  }
0x33: {  	p0 =	seq.s32 s10, $0x1;
	s10 =	sld [smem:$0x3FBA];
	_ =	sdelay $0x3  }
0x34: {  	[smem:$0x3FBA] =	sst s10  }
0x35: {  	s10 =	sld [smem:$0x3FB9];
	_ =	sdelay $0x3  }
0x36: {  	p1 =	seq.s32 s10, $0x1;
	s10 =	sld [smem:$0x3FBA];
	_ =	sdelay $0x3  }
0x37: {  	[smem:$0x3FBA] =	sst s10  }
0x38: {  	s10 =	sld [smem:$0x3FBB]  }
0x39: {  	_ = 	snop;
	(pc) =	sbr.ind lr, $3  }
0x3a: {  	_ = 	snop  }
0x3b: {  	_ = 	snop  }
0x3c: {  	p2 =	seq.s32 s10, $0x1;
	s10 =	sld [smem:$0x3FBA]  }
0x3d: {  	_ =	shalt  }
0x3e: {  	_ =	shalt  }
0x3f: {  	_ =	shalt  }
0x40: {  	_ =	shalt  }
0x41: {  	_ =	shalt  }
0x42: {  	_ =	shalt  }
0x43: {  	_ =	shalt  }
0x44: {  	_ =	shalt  }
0x45: {  	_ =	shalt  }
0x46: {  	_ =	shalt  }
0x47: {  	_ =	shalt  }
0x48: {  	_ =	shalt  }
0x49: {  	_ =	shalt  }
0x4a: {  	_ =	shalt  }
0x4b: {  	_ =	shalt  }
0x4c: {  	_ =	shalt  }
0x4d: {  	_ =	shalt  }
0x4e: {  	_ =	shalt  }
0x4f: {  	_ =	shalt  }
0x50: {  	_ =	shalt  }
0x51: {  	_ =	shalt  }
0x52: {  	_ =	shalt  }
0x53: {  	_ =	shalt  }
0x54: {  	_ =	shalt  }
0x55: {  	_ =	shalt  }
0x56: {  	_ =	shalt  }
0x57: {  	_ =	shalt  }
0x58: {  	_ =	shalt  }
0x59: {  	_ =	shalt  }
0x5a: {  	_ =	shalt  }
0x5b: {  	_ =	shalt  }
0x5c: {  	_ =	shalt  }
0x5d: {  	_ =	shalt  }
0x5e: {  	_ =	shalt  }
0x5f: {  	_ =	shalt  }
0x60: {  	_ =	shalt  }
0x61: {  	_ =	shalt  }
0x62: {  	_ =	shalt  }
0x63: {  	_ =	shalt  }
0x64: {  	_ =	shalt  }
0x65: {  	_ =	shalt  }
0x66: {  	_ =	shalt  }
0x67: {  	_ =	shalt  }
0x68: {  	_ =	shalt  }
0x69: {  	_ =	shalt  }
0x6a: {  	_ =	shalt  }
0x6b: {  	_ =	shalt  }
0x6c: {  	_ =	shalt  }
0x6d: {  	_ =	shalt  }
0x6e: {  	_ =	shalt  }
0x6f: {  	_ =	shalt  }
0x70: {  	_ =	shalt  }
0x71: {  	_ =	shalt  }
0x72: {  	_ =	shalt  }
0x73: {  	_ =	shalt  }
0x74: {  	_ =	shalt  }
0x75: {  	_ =	shalt  }
0x76: {  	_ =	shalt  }
0x77: {  	_ =	shalt  }
0x78: {  	_ =	shalt  }
0x79: {  	_ =	shalt  }
0x7a: {  	_ =	shalt  }
0x7b: {  	_ =	shalt  }
0x7c: {  	_ =	shalt  }
0x7d: {  	_ =	shalt  }
0x7e: {  	_ =	shalt  }
0x7f: {  	_ =	shalt  }
0x80: {  	_ =	shalt  }
0x81: {  	_ =	shalt  }
0x82: {  	_ =	shalt  }
0x83: {  	_ =	shalt  }
0x84: {  	_ =	shalt  }
0x85: {  	_ =	shalt  }
0x86: {  	_ =	shalt  }
0x87: {  	_ =	shalt  }
.Lfunc_end0:
.L_simem_size_0:
called_computation_lowered:
.L_overlay_start_0:
0x88: {  	s2 =	sld [smem:$0x3FD9]  }
0x89: {  	s3 =	sld [smem:$0x3FFE];
	_ =	sdelay $0x1  }
0x8a: {  	s1 =	srdreg.scid  }
0x8b: {  	s0 =	sand.u32 $0x1, s1  }
0x8c: {  	s17 =	sshll.u32 s0, $0xA;
	s2 =	sadd.s32 s3, s2  }
0x8d: {  	s2 =	sadd.s32 s2, s17  }
0x8e: {  	[smem:$0x3FC6] =	sst s2  }
0x8f: {  	_ = 	snop  }
0x90: {  	s2 =	sld [smem:$0x3FC9]  }
0x91: {  	s18 =	sld [smem:$0x3FC8]  }
0x92: {  	s4 =	sld [smem:$0x3FD0];
	(tm) =	ssettm $0x1  }
0x93: {  	s5 =	sld [smem:$0x3FFB];
	_ =	sdelay $0x3  }
0x94: {  	_ =	strace s5  }
0x95: {  	s5 =	sld [smem:$0x3FFC];
	_ =	sdelay $0x3  }
0x96: {  	_ =	strace s5  }
0x97: {  	s5 =	sld [smem:$0x3FFD];
	_ =	sdelay $0x3  }
0x98: {  	_ =	strace s5  }
0x99: {  	_ =	strace $0x8FFFFFFF  }
0x9a: {  	s19 =	sld [smem:$0x3FDB];
	_ =	sdelay $0x1  }
0x9b: {  	s6 =	simm.s32 $_scs_section_size  }
0x9c: {  	s7 =	simm.s32 $_size__tile_overlayer_lowered;
	s8 =	simm.s32 $_tile_overlayer_lowered  }
0x9d: {  	s22 =	simm.s32 $0x1BFF;
	s21 =	sshll.u32 s8, $0x1;
	s5 =	sadd.s32 s6, s19  }
0x9e: {  	s9 =	simm.s32 $0x0;
	s20 =	sshll.u32 s7, $0x1;
	s7 =	sadd.s32 s21, s5  }
0x9f: {  	[timem:s9], [sflag:s22] =	dma.local [hbm:s7], s20  }
0xa0: {  	_ =	swait.ge [sflag:s22], s20  }
0xa1: {  	s6 =	ssub.s32 $0x0, s20;
	[sflag:s22] =	ssyncset.done $0x0  }
0xa2: {  	[sflag:s22] =	ssyncadd.s32 s6;
	_ =	sdelay $0x1  }
0xa3: {  	s23 =	simm.s32 $0x1B8B  }
0xa4: {  	_ =	swait.ge [sflag:s23], $0x1  }
0xa5: {  	[sflag:s23] =	ssyncset.done $0x0  }
0xa6: {  	s25 =	simm.s32 $0x1B8E;
	s24 =	sld [smem:$0x3FFE];
	[sflag:s23] =	ssyncadd.s32 $0xFFFFFFFF  }
0xa7: {  	s26 =	simm.s32 $execute0_lowered;
	[smem:$0x3FD2] =	sst s25  }
0xa8: {  	s7 =	sshll.u32 s26, $0x1;
	_ =	strace $0x80000046;
	[dreg:$0x1] =	wrdreg $0xFFFFFFFF  }
0xa9: {  	s28 =	simm.s32 $_size_execute0_lowered;
	s5 =	sadd.s32 s5, s7;
	[dreg:$0x0] =	wrdreg $0x0  }
0xaa: {  	s7 =	sshll.u32 s28, $0x1;
	[dreg:$0x2] =	wrdreg s5  }
0xab: {  	[dreg:$0x3] =	wrdreg s7  }
0xac: {  	[dreg:$0x4] =	wrdreg $0xC0  }
0xad: {  	_ =	task [dreg:s9], $0x5FFFF  }
0xae: {  	[dreg:$0x1] =	wrdreg $0xFFFFFFFF  }
0xaf: {  	[dreg:$0x0] =	wrdreg $0x60  }
0xb0: {  	[dreg:$0x2] =	wrdreg s2  }
0xb1: {  	[dreg:$0x3] =	wrdreg s18  }
0xb2: {  	[dreg:$0x4] =	wrdreg s24  }
0xb3: {  	[dreg:$0x5] =	wrdreg s4  }
0xb4: {  	[dreg:$0x6] =	wrdreg $0x9  }
0xb5: {  	_ =	task.clear_ibuf [dreg:s9], $0x7FFFF;
	_ =	strace $0x90000046  }
0xb6: {  	s29 =	simm.s32 $0x9;
	_ =	strace $0x80000048  }
0xb7: {  	_ =	swait.ge [sflag:s29], $0x1  }
0xb8: {  	[sflag:s29] =	ssyncadd.s32 $0xFFFFFFFF  }
0xb9: {  	_ =	strace $0x90000048  }
0xba: {  	_ =	sfence  }
0xbb: {  	s30 =	sld [smem:$0x0];
	_ =	sdelay $0x2  }
0xbc: {  	s31 =	sshll.u32 s1, $0xD;
	s1 =	sshrl.u32 s1, $0x2  }
0xbd: {  	s3 =	sand.u32 $0x4000, s31;
	s1 =	sadd.s32 s1, s30  }
0xbe: {  	s0 =	sor.u32 s3, s0;
	s1 =	sshll.u32 s1, $0x11  }
0xbf: {  	s0 =	sor.u32 s1, s0  }
0xc0: {  	s0 =	sadd.s32 $0x8F2B, s0  }
0xc1: {  	[sflag:s0] =	ssyncadd.remote.s32 $0x1  }
0xc2: {  	_ =	sfence.sel $0xFFFF  }
0xc3: {  	[dreg:$0x0] =	wrdreg $0xFFFFFFFF;
	(pc) =	sbr.abs _section_cstart, $3  }
0xc4: {  	[dreg:$0x1] =	wrdreg $0xFFFFFFFF  }
0xc5: {  	_ =	task.clear_ibuf [dreg:s9], $0x2FFFF;
	_ =	strace $0x9FFFFFFF  }
0xc6: {  	(tm) =	ssettm $0x7FFFFFFF  }
0xc7: {  	_ =	shalt  }
tec
execute0_lowered:
.L_overlay_start_1:
0x0: {  	(tag) =	ssettag $0x1  }
0x1: {  	s8 =	rddreg [dreg:$0x0]  }
0x2: {  	s1 =	rddreg [dreg:$0x1]  }
0x3: {  	s4 =	rddreg [dreg:$0x2]  }
0x4: {  	s10 =	rddreg [dreg:$0x3]  }
0x5: {  	s0 =	rddreg [dreg:$0x4]  }
0x6: {  	s5 =	srdreg.scid;
	s2 =	stileid.u32;
	s3 =	simm.s32 $0x0  }
0x7: {  	s13 =	simm.s32 $0x100;
	s14 =	simm.s32 $0x180;
	s15 =	simm.s32 $0x1  }
0x8: {  	s16 =	simm.s32 $0x40;
	s17 =	simm.s32 $0x200;
	s18 =	simm.s32 $0x2200  }
0x9: {  	s19 =	simm.s32 $0x4200;
	s20 =	simm.s32 $0x6200;
	s21 =	simm.s32 $0x2  }
0xa: {  	s5 =	sand.u32 $0x1, s5;
	s6 =	sshll.u32 s2, $0x1;
	[smem:$0x7FF] =	sst s3  }
0xb: {  	s22 =	sadd.s32 $0x8000, s10;
	s23 =	sadd.s32 $0x10000, s10;
	s9 =	sor.u32 s5, s6  }
0xc: {  	_ =	strace $0x80000047;
	s11 =	sshll.u32 s5, $0x6;
	s25 =	ssub.s32 $0x2, s5  }
0xd: {  	s6 =	sshll.u32 s9, $0x8;
	s7 =	sshll.u32 s9, $0x6;
	s28 =	sshrl.u32 s25, $0x1  }
0xe: {  	s24 =	sshll.u32 s9, $0xA;
	s12 =	sand.u32 $0x1E00, s6;
	s7 =	sadd.s32 s7, s4  }
0xf: {  	s6 =	sor.u32 s11, s6;
	s29 =	ssub.s32 s25, s28;
	s9 =	sadd.s32 s10, s24  }
0x10: {  	s25 =	sadd.s32 $0x18000, s10;
	s22 =	sadd.s32 s24, s22;
	s23 =	sadd.s32 s24, s23  }
0x11: {  	s26 =	sor.u32 s11, s12;
	s30 =	sshrl.u32 s6, $0x3;
	s10 =	smax.u32 s29, $0x1  }
0x12: {  	s11 =	simm.s32 $0xA200;
	s24 =	sadd.s32 s24, s25;
	s25 =	simm.s32 $0x0  }
0x13: {  	s5 =	sshrl.u32 s26, $0x3;
	s31 =	sor.u32 $0x20, s30;
	s12 =	sor.u32 $0x30, s30  }
0x14: {  	s4 =	sadd.s32 s8, s5;
	s5 =	sadd.s32 $0x400, s7;
	s7 =	sadd.s32 s8, s31  }
0x15: {  	s8 =	sadd.s32 s8, s12;
	s12 =	simm.s32 $0x80;
	s6 =	sadd.s32 $0x10, s4  }
.LBB2_1:
0x16: {  	[tilespmem:s11], [sflag:$0x2] =	stream.linear.gather [hbm4b:s5+s3], $0x200, $0x38;
	[tilespmem:$0xA400] =	vst v63  }
0x17: {  	_ = 	snop  }
0x18: {  	[tilespmem:s3], [sflag:$0x1] =	stream.linear.gather [hbm4b:s4+s3], $0x40, $0x38;
	[tilespmem:$0xA400] =	vst v63  }
0x19: {  	_ = 	snop  }
0x1a: {  	[tilespmem:s12], [sflag:$0x1] =	stream.linear.gather [hbm4b:s6+s3], $0x40, $0x38;
	[tilespmem:$0xA400] =	vst v63  }
0x1b: {  	_ = 	snop  }
0x1c: {  	[tilespmem:s13], [sflag:$0x1] =	stream.linear.gather [hbm4b:s7+s3], $0x40, $0x38;
	[tilespmem:$0xA400] =	vst v63  }
0x1d: {  	_ = 	snop  }
0x1e: {  	[tilespmem:s14], [sflag:$0x1] =	stream.linear.gather [hbm4b:s8+s3], $0x40, $0x38;
	[tilespmem:$0xA400] =	vst v63  }
0x1f: {  	_ =	swait.ge [sflag:s15], $0x40  }
0x20: {  	[sflag:s15] =	ssyncset.done $0x0  }
0x21: {  	[sflag:s15] =	ssyncadd.s32 $0xFFFFFFC0  }
0x22: {  	[tilespmem:s17], [sflag:$0x1] =	stream.indirect.gather [hbm4b:s1+s16], $0x80, s3, s16, $0xb8;
	[tilespmem:$0xA400] =	vst v63  }
0x23: {  	_ =	swait.ge [sflag:s15], $0x40  }
0x24: {  	[sflag:s15] =	ssyncset.done $0x0  }
0x25: {  	[sflag:s15] =	ssyncadd.s32 $0xFFFFFFC0  }
0x26: {  	[tilespmem:s18], [sflag:$0x1] =	stream.indirect.gather [hbm4b:s1+s16], $0x80, s12, s16, $0xb8;
	[tilespmem:$0xA400] =	vst v63  }
0x27: {  	_ =	swait.ge [sflag:s15], $0x40  }
0x28: {  	[sflag:s15] =	ssyncset.done $0x0  }
0x29: {  	[sflag:s15] =	ssyncadd.s32 $0xFFFFFFC0  }
0x2a: {  	[tilespmem:s19], [sflag:$0x1] =	stream.indirect.gather [hbm4b:s1+s16], $0x80, s13, s16, $0xb8;
	[tilespmem:$0xA400] =	vst v63  }
0x2b: {  	_ =	swait.ge [sflag:s15], $0x40  }
0x2c: {  	[sflag:s15] =	ssyncset.done $0x0  }
0x2d: {  	[sflag:s15] =	ssyncadd.s32 $0xFFFFFFC0  }
0x2e: {  	[tilespmem:s20], [sflag:$0x1] =	stream.indirect.gather [hbm4b:s1+s16], $0x80, s14, s16, $0xb8;
	[tilespmem:$0xA400] =	vst v63  }
0x2f: {  	_ =	swait.ge [sflag:s21], $0x200  }
0x30: {  	[sflag:s21] =	ssyncset.done $0x0  }
0x31: {  	[sflag:s21] =	ssyncadd.s32 $0xFFFFFE00  }
0x32: {  	v27 =	vld [tilespmem:$0xA200]  }
0x33: {  	v26 =	vld [tilespmem:$0xA210]  }
0x34: {  	v28 =	vld [tilespmem:$0xA220]  }
0x35: {  	v25 =	vld [tilespmem:$0xA230]  }
0x36: {  	v24 =	vld [tilespmem:$0xA240]  }
0x37: {  	v23 =	vld [tilespmem:$0xA250]  }
0x38: {  	v22 =	vld [tilespmem:$0xA260]  }
0x39: {  	v21 =	vld [tilespmem:$0xA270]  }
0x3a: {  	v30 =	vld [tilespmem:$0xA280]  }
0x3b: {  	v31 =	vld [tilespmem:$0xA290]  }
0x3c: {  	v29 =	vld [tilespmem:$0xA2A0]  }
0x3d: {  	v33 =	vld [tilespmem:$0xA2C0]  }
0x3e: {  	v34 =	vld [tilespmem:$0xA2D0]  }
0x3f: {  	v35 =	vld [tilespmem:$0xA2E0]  }
0x40: {  	v36 =	vld [tilespmem:$0xA2F0]  }
0x41: {  	v0 =	vld [tilespmem:$0xA300]  }
0x42: {  	v1 =	vld [tilespmem:$0xA320]  }
0x43: {  	v3 =	vld [tilespmem:$0xA340]  }
0x44: {  	v4 =	vld [tilespmem:$0xA350]  }
0x45: {  	v5 =	vld [tilespmem:$0xA360]  }
0x46: {  	v6 =	vld [tilespmem:$0xA370]  }
0x47: {  	v7 =	vld [tilespmem:$0xA390]  }
0x48: {  	v8 =	vld [tilespmem:$0xA3F0]  }
0x49: {  	v9 =	vld [tilespmem:$0xA3E0]  }
0x4a: {  	v10 =	vld [tilespmem:$0xA380]  }
0x4b: {  	v11 =	vld [tilespmem:$0xA3D0]  }
0x4c: {  	v12 =	vld [tilespmem:$0xA3C0]  }
0x4d: {  	v13 =	vld [tilespmem:$0xA3B0];
	v16 =	vmul.f32 v36, v6;
	v17 =	vmul.f32 v21, v8  }
0x4e: {  	v14 =	vld [tilespmem:$0xA3A0];
	v37 =	vmul.f32 v26, v7;
	v19 =	vmul.f32 v22, v9  }
0x4f: {  	v15 =	vld [tilespmem:$0xA310];
	v38 =	vmul.f32 v27, v10;
	v20 =	vmul.f32 v35, v5  }
0x50: {  	v39 =	vmul.f32 v34, v4;
	v40 =	vmul.f32 v23, v11  }
0x51: {  	v41 =	vmul.f32 v33, v3;
	v42 =	vmul.f32 v24, v12  }
0x52: {  	v43 =	vmul.f32 v25, v13;
	v49 =	vmul.f32 v29, v1  }
0x53: {  	v2 =	vld [tilespmem:$0xA330];
	v50 =	vmul.f32 v28, v14;
	v51 =	vmul.f32 v30, v0  }
0x54: {  	v52 =	vmul.f32 v31, v15;
	v53 =	vmul.f32 v21, v6  }
0x55: {  	v44 =	vmul.f32 v36, v8;
	v54 =	vmul.f32 v22, v5  }
0x56: {  	v55 =	vmul.f32 v35, v9;
	v56 =	vmul.f32 v23, v4  }
0x57: {  	v32 =	vld [tilespmem:$0xA2B0];
	v57 =	vmul.f32 v34, v11;
	v58 =	vmul.f32 v24, v3  }
0x58: {  	s28 =	simm.s32 $0x0;
	v59 =	vmul.f32 v33, v12;
	v60 =	vmul.f32 v25, v2  }
0x59: {  	[tilespmem:s28+$0x8220] =	vst v28;
	v28 =	vmul.f32 v28, v1;
	v61 =	vmul.f32 v29, v14;
	v18 =	vsub.f32 v16, v17  }
0x5a: {  	[tilespmem:s28+$0x8200] =	vst v27;
	v62 =	vmul.f32 v26, v15;
	v16 =	vsub.f32 v20, v19;
	v17 =	vsub.f32 v39, v40  }
0x5b: {  	[tilespmem:s28+$0x8210] =	vst v26;
	v63 =	vmul.f32 v31, v7;
	v19 =	vsub.f32 v41, v42;
	v21 =	vsub.f32 v49, v50  }
0x5c: {  	[tilespmem:s28+$0x8230] =	vst v25;
	v20 =	vmul.f32 v32, v2;
	v22 =	vsub.f32 v51, v38;
	v23 =	vadd.f32 v44, v53  }
0x5d: {  	[tilespmem:s28+$0x8240] =	vst v33;
	v24 =	vadd.f32 v55, v54;
	v32 =	vmul.f32 v32, v13;
	v25 =	vadd.f32 v57, v56  }
0x5e: {  	[tilespmem:s28+$0x8250] =	vst v34;
	v31 =	vmul.f32 v27, v0;
	v29 =	vsub.f32 v52, v37;
	v27 =	vadd.f32 v61, v28  }
0x5f: {  	[tilespmem:s28+$0x8260] =	vst v35;
	v28 =	vadd.f32 v63, v62;
	v26 =	vadd.f32 v32, v60;
	v32 =	vmul.f32 v30, v10  }
0x60: {  	s26 =	simm.s32 $0x200;
	[tilespmem:s28+$0x8270] =	vst v36;
	v20 =	vsub.f32 v20, v43;
	v30 =	vadd.f32 v59, v58  }
.LBB2_2:
0x61: {  	v33 =	vmul.f32 v18, v6;
	v34 =	vmul.f32 v23, v8;
	v31 =	vadd.f32 v32, v31;
	v32 =	vmovc v18  }
0x62: {  	p0 =	sne.s32 s26, $0x7E00;
	v35 =	vmovc v16;
	v36 =	vmovc v17;
	v37 =	vmov v19;
	v38 =	vmov v20;
	v39 =	vmov v21;
	s28 =	smov.u32 s26;
	s26 =	sadd.s32 $0x200, s26  }
0x63: {  	v41 =	vmul.f32 v24, v9;
	v42 =	vmovc v22;
	v43 =	vmov v29;
	s28 =	sshra.s32 s28, $0x2;
	v40 =	vmul.f32 v28, v7  }
0x64: {  	v16 =	vmul.f32 v16, v5;
	[tilespmem:s28+$0x8200] =	vst v31;
	v44 =	vmul.f32 v31, v10;
	v18 =	vsub.f32 v33, v34  }
0x65: {  	v17 =	vmul.f32 v17, v4;
	v33 =	vmul.f32 v25, v11;
	[tilespmem:s28+$0x8210] =	vst v28  }
0x66: {  	v19 =	vmul.f32 v19, v3;
	v34 =	vmul.f32 v30, v12;
	v16 =	vsub.f32 v16, v41;
	[tilespmem:s28+$0x8220] =	vst v27  }
0x67: {  	v20 =	vmul.f32 v20, v2;
	v41 =	vmul.f32 v26, v13;
	v17 =	vsub.f32 v17, v33;
	[tilespmem:s28+$0x8230] =	vst v26  }
0x68: {  	v21 =	vmul.f32 v21, v1;
	v33 =	vmul.f32 v27, v14;
	v19 =	vsub.f32 v19, v34;
	[tilespmem:s28+$0x8240] =	vst v37  }
0x69: {  	v22 =	vmul.f32 v22, v0;
	v29 =	vmul.f32 v29, v15;
	v20 =	vsub.f32 v20, v41;
	[tilespmem:s28+$0x8250] =	vst v36  }
0x6a: {  	v23 =	vmul.f32 v23, v6;
	v34 =	vmul.f32 v32, v8;
	v21 =	vsub.f32 v21, v33;
	[tilespmem:s28+$0x8260] =	vst v35  }
0x6b: {  	v24 =	vmul.f32 v24, v5;
	v22 =	vsub.f32 v22, v44;
	[tilespmem:s28+$0x8270] =	vst v32;
	v32 =	vmul.f32 v35, v9  }
0x6c: {  	v25 =	vmul.f32 v25, v4;
	v33 =	vmul.f32 v36, v11;
	v23 =	vadd.f32 v34, v23  }
0x6d: {  	v30 =	vmul.f32 v30, v3;
	v34 =	vmul.f32 v37, v12;
	v24 =	vadd.f32 v32, v24  }
.Ltmp0:
0x6e: {  	v26 =	vmul.f32 v26, v2;
	v25 =	vadd.f32 v33, v25;
	v32 =	vmul.f32 v38, v13;
	(pc) =	sbr.rel @p0 .LBB2_2-.Ltmp0, $4  }
0x6f: {  	v29 =	vsub.f32 v29, v40;
	v27 =	vmul.f32 v27, v1;
	v33 =	vmul.f32 v39, v14  }
0x70: {  	v28 =	vmul.f32 v28, v15;
	v35 =	vmul.f32 v43, v7;
	v26 =	vadd.f32 v32, v26  }
0x71: {  	v31 =	vmul.f32 v31, v0;
	v27 =	vadd.f32 v33, v27;
	v32 =	vmul.f32 v42, v10  }
0x72: {  	v30 =	vadd.f32 v34, v30;
	v28 =	vadd.f32 v35, v28  }
0x73: {  	_ =	swait.ge [sflag:s15], $0x2000  }
0x74: {  	[sflag:s15] =	ssyncset.done $0x0  }
0x75: {  	s26 =	simm.s32 $0x0;
	[sflag:s15] =	ssyncadd.s32 $0xFFFFE000  }
0x76: {  	v5 =	vld [tilespmem:s26+$0x8200]  }
0x77: {  	v4 =	vld [tilespmem:s26+$0x8210]  }
0x78: {  	v3 =	vld [tilespmem:s26+$0x8220]  }
0x79: {  	v2 =	vld [tilespmem:s26+$0x8230]  }
0x7a: {  	v1 =	vld [tilespmem:s26+$0x8240]  }
0x7b: {  	v0 =	vld [tilespmem:s26+$0x8250]  }
0x7c: {  	v6 =	vld [tilespmem:s26+$0x200]  }
0x7d: {  	v11 =	vld [tilespmem:s26+$0x210]  }
0x7e: {  	v10 =	vld [tilespmem:s26+$0x220]  }
0x7f: {  	v9 =	vld [tilespmem:s26+$0x230]  }
0x80: {  	v8 =	vld [tilespmem:s26+$0x240]  }
0x81: {  	v7 =	vld [tilespmem:s26+$0x250];
	v12 =	vmul.f32 $1.131370830e+01, v6  }
0x82: {  	s28 =	simm.s32 $0x200;
	v11 =	vmul.f32 $1.131370830e+01, v11;
	v6 =	vld [tilespmem:s26+$0x260]  }
.LBB2_4:
0x83: {  	p0 =	sne.s32 s28, $0x7E00;
	v5 =	vadd.f32 v5, v12;
	v10 =	vmul.f32 $1.131370830e+01, v10;
	v12 =	vld [tilespmem:s26+$0x270]  }
0x84: {  	v4 =	vadd.f32 v4, v11;
	v9 =	vmul.f32 $1.131370830e+01, v9;
	v11 =	vld [tilespmem:s26+$0x8260]  }
0x85: {  	s29 =	sshra.s32 s28, $0x2;
	[tilespmem:s26+$0x200] =	vst v5;
	v3 =	vadd.f32 v3, v10;
	v8 =	vmul.f32 $1.131370830e+01, v8;
	v10 =	vld [tilespmem:s26+$0x8270]  }
0x86: {  	v5 =	vld [tilespmem:s29+$0x8200];
	[tilespmem:s26+$0x210] =	vst v4;
	v2 =	vadd.f32 v2, v9;
	v7 =	vmul.f32 $1.131370830e+01, v7  }
0x87: {  	v4 =	vld [tilespmem:s29+$0x8210];
	[tilespmem:s26+$0x220] =	vst v3;
	v1 =	vadd.f32 v1, v8;
	v6 =	vmul.f32 $1.131370830e+01, v6  }
0x88: {  	v3 =	vld [tilespmem:s29+$0x8220];
	[tilespmem:s26+$0x230] =	vst v2;
	v0 =	vadd.f32 v0, v7;
	v7 =	vmul.f32 $1.131370830e+01, v12  }
0x89: {  	v2 =	vld [tilespmem:s29+$0x8230];
	[tilespmem:s26+$0x240] =	vst v1;
	v6 =	vadd.f32 v11, v6  }
0x8a: {  	v1 =	vld [tilespmem:s29+$0x8240];
	[tilespmem:s26+$0x250] =	vst v0;
	v7 =	vadd.f32 v10, v7  }
0x8b: {  	v0 =	vld [tilespmem:s29+$0x8250];
	[tilespmem:s26+$0x260] =	vst v6  }
0x8c: {  	v6 =	vld [tilespmem:s29+$0x200];
	[tilespmem:s26+$0x270] =	vst v7;
	s26 =	smov.u32 s29  }
0x8d: {  	v11 =	vld [tilespmem:s26+$0x210]  }
.Ltmp1:
0x8e: {  	v10 =	vld [tilespmem:s26+$0x220];
	(pc) =	sbr.rel @p0 .LBB2_4-.Ltmp1, $4  }
0x8f: {  	v9 =	vld [tilespmem:s26+$0x230]  }
0x90: {  	v8 =	vld [tilespmem:s26+$0x240]  }
0x91: {  	v12 =	vmul.f32 $1.131370830e+01, v6;
	v7 =	vld [tilespmem:s26+$0x250]  }
0x92: {  	s28 =	sadd.s32 $0x200, s28;
	v11 =	vmul.f32 $1.131370830e+01, v11;
	v6 =	vld [tilespmem:s26+$0x260]  }
0x93: {  	v5 =	vadd.f32 v5, v12;
	v12 =	vld [tilespmem:s26+$0x270];
	v10 =	vmul.f32 $1.131370830e+01, v10  }
0x94: {  	v13 =	vld [tilespmem:s26+$0x8260];
	v4 =	vadd.f32 v4, v11;
	v9 =	vmul.f32 $1.131370830e+01, v9  }
0x95: {  	[tilespmem:s26+$0x200] =	vst v5;
	v3 =	vadd.f32 v3, v10;
	v5 =	vmul.f32 $1.131370830e+01, v8;
	v8 =	vld [tilespmem:s26+$0x8270]  }
0x96: {  	[tilespmem:s26+$0x210] =	vst v4;
	v2 =	vadd.f32 v2, v9;
	v4 =	vmul.f32 $1.131370830e+01, v7  }
0x97: {  	[tilespmem:s26+$0x220] =	vst v3;
	v1 =	vadd.f32 v1, v5;
	v3 =	vmul.f32 $1.131370830e+01, v6  }
0x98: {  	[tilespmem:s26+$0x230] =	vst v2;
	v0 =	vadd.f32 v0, v4;
	v2 =	vmul.f32 $1.131370830e+01, v12  }
0x99: {  	[tilespmem:s26+$0x240] =	vst v1;
	v1 =	vadd.f32 v13, v3  }
0x9a: {  	[tilespmem:s26+$0x250] =	vst v0;
	v0 =	vadd.f32 v8, v2  }
0x9b: {  	[tilespmem:s26+$0x260] =	vst v1  }
0x9c: {  	s31 =	simm.s32 $0x0;
	[tilespmem:s26+$0x270] =	vst v0  }
0x9d: {  	[hbm4b:s9+s31] =	stream.linear.scatter [tilespmem:s17], [sflag:$0x2], $0x2000, $0x38;
	[tilespmem:$0xA400] =	vst v63  }
0x9e: {  	_ =	swait.ge [sflag:s15], $0x2000  }
0x9f: {  	[sflag:s15] =	ssyncset.done $0x0  }
0xa0: {  	s26 =	simm.s32 $0x0;
	[sflag:s15] =	ssyncadd.s32 $0xFFFFE000  }
0xa1: {  	v5 =	vld [tilespmem:s26+$0x8200]  }
0xa2: {  	v4 =	vld [tilespmem:s26+$0x8210]  }
0xa3: {  	v3 =	vld [tilespmem:s26+$0x8220]  }
0xa4: {  	v2 =	vld [tilespmem:s26+$0x8230]  }
0xa5: {  	v1 =	vld [tilespmem:s26+$0x8240]  }
0xa6: {  	v0 =	vld [tilespmem:s26+$0x8250]  }
0xa7: {  	v6 =	vld [tilespmem:s26+$0x2200]  }
0xa8: {  	v11 =	vld [tilespmem:s26+$0x2210]  }
0xa9: {  	v10 =	vld [tilespmem:s26+$0x2220]  }
0xaa: {  	v9 =	vld [tilespmem:s26+$0x2230]  }
0xab: {  	v8 =	vld [tilespmem:s26+$0x2240]  }
0xac: {  	v7 =	vld [tilespmem:s26+$0x2250];
	v12 =	vmul.f32 $1.131370830e+01, v6  }
0xad: {  	s28 =	simm.s32 $0x200;
	v11 =	vmul.f32 $1.131370830e+01, v11;
	v6 =	vld [tilespmem:s26+$0x2260]  }
.LBB2_6:
0xae: {  	p0 =	sne.s32 s28, $0x7E00;
	v5 =	vadd.f32 v5, v12;
	v10 =	vmul.f32 $1.131370830e+01, v10;
	v12 =	vld [tilespmem:s26+$0x2270]  }
0xaf: {  	v4 =	vadd.f32 v4, v11;
	v9 =	vmul.f32 $1.131370830e+01, v9;
	v11 =	vld [tilespmem:s26+$0x8260]  }
0xb0: {  	s29 =	sshra.s32 s28, $0x2;
	[tilespmem:s26+$0x2200] =	vst v5;
	v3 =	vadd.f32 v3, v10;
	v8 =	vmul.f32 $1.131370830e+01, v8;
	v10 =	vld [tilespmem:s26+$0x8270]  }
0xb1: {  	v5 =	vld [tilespmem:s29+$0x8200];
	[tilespmem:s26+$0x2210] =	vst v4;
	v2 =	vadd.f32 v2, v9;
	v7 =	vmul.f32 $1.131370830e+01, v7  }
0xb2: {  	v4 =	vld [tilespmem:s29+$0x8210];
	[tilespmem:s26+$0x2220] =	vst v3;
	v1 =	vadd.f32 v1, v8;
	v6 =	vmul.f32 $1.131370830e+01, v6  }
0xb3: {  	v3 =	vld [tilespmem:s29+$0x8220];
	[tilespmem:s26+$0x2230] =	vst v2;
	v0 =	vadd.f32 v0, v7;
	v7 =	vmul.f32 $1.131370830e+01, v12  }
0xb4: {  	v2 =	vld [tilespmem:s29+$0x8230];
	[tilespmem:s26+$0x2240] =	vst v1;
	v6 =	vadd.f32 v11, v6  }
0xb5: {  	v1 =	vld [tilespmem:s29+$0x8240];
	[tilespmem:s26+$0x2250] =	vst v0;
	v7 =	vadd.f32 v10, v7  }
0xb6: {  	v0 =	vld [tilespmem:s29+$0x8250];
	[tilespmem:s26+$0x2260] =	vst v6  }
0xb7: {  	v6 =	vld [tilespmem:s29+$0x2200];
	[tilespmem:s26+$0x2270] =	vst v7;
	s26 =	smov.u32 s29  }
0xb8: {  	v11 =	vld [tilespmem:s26+$0x2210]  }
.Ltmp2:
0xb9: {  	v10 =	vld [tilespmem:s26+$0x2220];
	(pc) =	sbr.rel @p0 .LBB2_6-.Ltmp2, $4  }
0xba: {  	v9 =	vld [tilespmem:s26+$0x2230]  }
0xbb: {  	v8 =	vld [tilespmem:s26+$0x2240]  }
0xbc: {  	v12 =	vmul.f32 $1.131370830e+01, v6;
	v7 =	vld [tilespmem:s26+$0x2250]  }
0xbd: {  	s28 =	sadd.s32 $0x200, s28;
	v11 =	vmul.f32 $1.131370830e+01, v11;
	v6 =	vld [tilespmem:s26+$0x2260]  }
0xbe: {  	v5 =	vadd.f32 v5, v12;
	v12 =	vld [tilespmem:s26+$0x2270];
	v10 =	vmul.f32 $1.131370830e+01, v10  }
0xbf: {  	v13 =	vld [tilespmem:s26+$0x8260];
	v4 =	vadd.f32 v4, v11;
	v9 =	vmul.f32 $1.131370830e+01, v9  }
0xc0: {  	[tilespmem:s26+$0x2200] =	vst v5;
	v3 =	vadd.f32 v3, v10;
	v5 =	vmul.f32 $1.131370830e+01, v8;
	v8 =	vld [tilespmem:s26+$0x8270]  }
0xc1: {  	[tilespmem:s26+$0x2210] =	vst v4;
	v2 =	vadd.f32 v2, v9;
	v4 =	vmul.f32 $1.131370830e+01, v7  }
0xc2: {  	[tilespmem:s26+$0x2220] =	vst v3;
	v1 =	vadd.f32 v1, v5;
	v3 =	vmul.f32 $1.131370830e+01, v6  }
0xc3: {  	[tilespmem:s26+$0x2230] =	vst v2;
	v0 =	vadd.f32 v0, v4;
	v2 =	vmul.f32 $1.131370830e+01, v12  }
0xc4: {  	[tilespmem:s26+$0x2240] =	vst v1;
	v1 =	vadd.f32 v13, v3  }
0xc5: {  	[tilespmem:s26+$0x2250] =	vst v0;
	v0 =	vadd.f32 v8, v2  }
0xc6: {  	[tilespmem:s26+$0x2260] =	vst v1  }
0xc7: {  	s31 =	simm.s32 $0x0;
	[tilespmem:s26+$0x2270] =	vst v0  }
0xc8: {  	[hbm4b:s22+s31] =	stream.linear.scatter [tilespmem:s18], [sflag:$0x2], $0x2000, $0x38;
	[tilespmem:$0xA400] =	vst v63  }
0xc9: {  	_ =	swait.ge [sflag:s15], $0x2000  }
0xca: {  	[sflag:s15] =	ssyncset.done $0x0  }
0xcb: {  	s26 =	simm.s32 $0x0;
	[sflag:s15] =	ssyncadd.s32 $0xFFFFE000  }
0xcc: {  	v5 =	vld [tilespmem:s26+$0x8200]  }
0xcd: {  	v4 =	vld [tilespmem:s26+$0x8210]  }
0xce: {  	v3 =	vld [tilespmem:s26+$0x8220]  }
0xcf: {  	v2 =	vld [tilespmem:s26+$0x8230]  }
0xd0: {  	v1 =	vld [tilespmem:s26+$0x8240]  }
0xd1: {  	v0 =	vld [tilespmem:s26+$0x8250]  }
0xd2: {  	v6 =	vld [tilespmem:s26+$0x4200]  }
0xd3: {  	v11 =	vld [tilespmem:s26+$0x4210]  }
0xd4: {  	v10 =	vld [tilespmem:s26+$0x4220]  }
0xd5: {  	v9 =	vld [tilespmem:s26+$0x4230]  }
0xd6: {  	v8 =	vld [tilespmem:s26+$0x4240]  }
0xd7: {  	v7 =	vld [tilespmem:s26+$0x4250];
	v12 =	vmul.f32 $1.131370830e+01, v6  }
0xd8: {  	s28 =	simm.s32 $0x200;
	v11 =	vmul.f32 $1.131370830e+01, v11;
	v6 =	vld [tilespmem:s26+$0x4260]  }
.LBB2_8:
0xd9: {  	p0 =	sne.s32 s28, $0x7E00;
	v5 =	vadd.f32 v5, v12;
	v10 =	vmul.f32 $1.131370830e+01, v10;
	v12 =	vld [tilespmem:s26+$0x4270]  }
0xda: {  	v4 =	vadd.f32 v4, v11;
	v9 =	vmul.f32 $1.131370830e+01, v9;
	v11 =	vld [tilespmem:s26+$0x8260]  }
0xdb: {  	s29 =	sshra.s32 s28, $0x2;
	[tilespmem:s26+$0x4200] =	vst v5;
	v3 =	vadd.f32 v3, v10;
	v8 =	vmul.f32 $1.131370830e+01, v8;
	v10 =	vld [tilespmem:s26+$0x8270]  }
0xdc: {  	v5 =	vld [tilespmem:s29+$0x8200];
	[tilespmem:s26+$0x4210] =	vst v4;
	v2 =	vadd.f32 v2, v9;
	v7 =	vmul.f32 $1.131370830e+01, v7  }
0xdd: {  	v4 =	vld [tilespmem:s29+$0x8210];
	[tilespmem:s26+$0x4220] =	vst v3;
	v1 =	vadd.f32 v1, v8;
	v6 =	vmul.f32 $1.131370830e+01, v6  }
0xde: {  	v3 =	vld [tilespmem:s29+$0x8220];
	[tilespmem:s26+$0x4230] =	vst v2;
	v0 =	vadd.f32 v0, v7;
	v7 =	vmul.f32 $1.131370830e+01, v12  }
0xdf: {  	v2 =	vld [tilespmem:s29+$0x8230];
	[tilespmem:s26+$0x4240] =	vst v1;
	v6 =	vadd.f32 v11, v6  }
0xe0: {  	v1 =	vld [tilespmem:s29+$0x8240];
	[tilespmem:s26+$0x4250] =	vst v0;
	v7 =	vadd.f32 v10, v7  }
0xe1: {  	v0 =	vld [tilespmem:s29+$0x8250];
	[tilespmem:s26+$0x4260] =	vst v6  }
0xe2: {  	v6 =	vld [tilespmem:s29+$0x4200];
	[tilespmem:s26+$0x4270] =	vst v7;
	s26 =	smov.u32 s29  }
0xe3: {  	v11 =	vld [tilespmem:s26+$0x4210]  }
.Ltmp3:
0xe4: {  	v10 =	vld [tilespmem:s26+$0x4220];
	(pc) =	sbr.rel @p0 .LBB2_8-.Ltmp3, $4  }
0xe5: {  	v9 =	vld [tilespmem:s26+$0x4230]  }
0xe6: {  	v8 =	vld [tilespmem:s26+$0x4240]  }
0xe7: {  	v12 =	vmul.f32 $1.131370830e+01, v6;
	v7 =	vld [tilespmem:s26+$0x4250]  }
0xe8: {  	s28 =	sadd.s32 $0x200, s28;
	v11 =	vmul.f32 $1.131370830e+01, v11;
	v6 =	vld [tilespmem:s26+$0x4260]  }
0xe9: {  	v5 =	vadd.f32 v5, v12;
	v12 =	vld [tilespmem:s26+$0x4270];
	v10 =	vmul.f32 $1.131370830e+01, v10  }
0xea: {  	v13 =	vld [tilespmem:s26+$0x8260];
	v4 =	vadd.f32 v4, v11;
	v9 =	vmul.f32 $1.131370830e+01, v9  }
0xeb: {  	[tilespmem:s26+$0x4200] =	vst v5;
	v3 =	vadd.f32 v3, v10;
	v5 =	vmul.f32 $1.131370830e+01, v8;
	v8 =	vld [tilespmem:s26+$0x8270]  }
0xec: {  	[tilespmem:s26+$0x4210] =	vst v4;
	v2 =	vadd.f32 v2, v9;
	v4 =	vmul.f32 $1.131370830e+01, v7  }
0xed: {  	[tilespmem:s26+$0x4220] =	vst v3;
	v1 =	vadd.f32 v1, v5;
	v3 =	vmul.f32 $1.131370830e+01, v6  }
0xee: {  	[tilespmem:s26+$0x4230] =	vst v2;
	v0 =	vadd.f32 v0, v4;
	v2 =	vmul.f32 $1.131370830e+01, v12  }
0xef: {  	[tilespmem:s26+$0x4240] =	vst v1;
	v1 =	vadd.f32 v13, v3  }
0xf0: {  	[tilespmem:s26+$0x4250] =	vst v0;
	v0 =	vadd.f32 v8, v2  }
0xf1: {  	[tilespmem:s26+$0x4260] =	vst v1  }
0xf2: {  	s31 =	simm.s32 $0x0;
	[tilespmem:s26+$0x4270] =	vst v0  }
0xf3: {  	[hbm4b:s23+s31] =	stream.linear.scatter [tilespmem:s19], [sflag:$0x2], $0x2000, $0x38;
	[tilespmem:$0xA400] =	vst v63  }
0xf4: {  	_ =	swait.ge [sflag:s15], $0x2000  }
0xf5: {  	[sflag:s15] =	ssyncset.done $0x0  }
0xf6: {  	s26 =	simm.s32 $0x0;
	[sflag:s15] =	ssyncadd.s32 $0xFFFFE000  }
0xf7: {  	v5 =	vld [tilespmem:s26+$0x8200]  }
0xf8: {  	v4 =	vld [tilespmem:s26+$0x8210]  }
0xf9: {  	v3 =	vld [tilespmem:s26+$0x8220]  }
0xfa: {  	v2 =	vld [tilespmem:s26+$0x8230]  }
0xfb: {  	v1 =	vld [tilespmem:s26+$0x8240]  }
0xfc: {  	v0 =	vld [tilespmem:s26+$0x8250]  }
0xfd: {  	v6 =	vld [tilespmem:s26+$0x6200]  }
0xfe: {  	v11 =	vld [tilespmem:s26+$0x6210]  }
0xff: {  	v10 =	vld [tilespmem:s26+$0x6220]  }
0x100: {  	v9 =	vld [tilespmem:s26+$0x6230]  }
0x101: {  	v8 =	vld [tilespmem:s26+$0x6240]  }
0x102: {  	v7 =	vld [tilespmem:s26+$0x6250];
	v12 =	vmul.f32 $1.131370830e+01, v6  }
0x103: {  	s28 =	simm.s32 $0x200;
	v11 =	vmul.f32 $1.131370830e+01, v11;
	v6 =	vld [tilespmem:s26+$0x6260]  }
.LBB2_10:
0x104: {  	p0 =	sne.s32 s28, $0x7E00;
	v5 =	vadd.f32 v5, v12;
	v10 =	vmul.f32 $1.131370830e+01, v10;
	v12 =	vld [tilespmem:s26+$0x6270]  }
0x105: {  	v4 =	vadd.f32 v4, v11;
	v9 =	vmul.f32 $1.131370830e+01, v9;
	v11 =	vld [tilespmem:s26+$0x8260]  }
0x106: {  	s29 =	sshra.s32 s28, $0x2;
	[tilespmem:s26+$0x6200] =	vst v5;
	v3 =	vadd.f32 v3, v10;
	v8 =	vmul.f32 $1.131370830e+01, v8;
	v10 =	vld [tilespmem:s26+$0x8270]  }
0x107: {  	v5 =	vld [tilespmem:s29+$0x8200];
	[tilespmem:s26+$0x6210] =	vst v4;
	v2 =	vadd.f32 v2, v9;
	v7 =	vmul.f32 $1.131370830e+01, v7  }
0x108: {  	v4 =	vld [tilespmem:s29+$0x8210];
	[tilespmem:s26+$0x6220] =	vst v3;
	v1 =	vadd.f32 v1, v8;
	v6 =	vmul.f32 $1.131370830e+01, v6  }
0x109: {  	v3 =	vld [tilespmem:s29+$0x8220];
	[tilespmem:s26+$0x6230] =	vst v2;
	v0 =	vadd.f32 v0, v7;
	v7 =	vmul.f32 $1.131370830e+01, v12  }
0x10a: {  	v2 =	vld [tilespmem:s29+$0x8230];
	[tilespmem:s26+$0x6240] =	vst v1;
	v6 =	vadd.f32 v11, v6  }
0x10b: {  	v1 =	vld [tilespmem:s29+$0x8240];
	[tilespmem:s26+$0x6250] =	vst v0;
	v7 =	vadd.f32 v10, v7  }
0x10c: {  	v0 =	vld [tilespmem:s29+$0x8250];
	[tilespmem:s26+$0x6260] =	vst v6  }
0x10d: {  	v6 =	vld [tilespmem:s29+$0x6200];
	[tilespmem:s26+$0x6270] =	vst v7;
	s26 =	smov.u32 s29  }
0x10e: {  	v11 =	vld [tilespmem:s26+$0x6210]  }
.Ltmp4:
0x10f: {  	v10 =	vld [tilespmem:s26+$0x6220];
	(pc) =	sbr.rel @p0 .LBB2_10-.Ltmp4, $4  }
0x110: {  	v9 =	vld [tilespmem:s26+$0x6230]  }
0x111: {  	v8 =	vld [tilespmem:s26+$0x6240]  }
0x112: {  	v12 =	vmul.f32 $1.131370830e+01, v6;
	v7 =	vld [tilespmem:s26+$0x6250]  }
0x113: {  	s28 =	sadd.s32 $0x200, s28;
	v11 =	vmul.f32 $1.131370830e+01, v11;
	v6 =	vld [tilespmem:s26+$0x6260]  }
0x114: {  	v5 =	vadd.f32 v5, v12;
	v56 =	vld [tilespmem:s26+$0x6270];
	v10 =	vmul.f32 $1.131370830e+01, v10  }
0x115: {  	v13 =	vld [tilespmem:s26+$0x8260];
	v4 =	vadd.f32 v4, v11;
	v9 =	vmul.f32 $1.131370830e+01, v9  }
0x116: {  	v58 =	vld [tilespmem:s26+$0x8270];
	[tilespmem:s26+$0x6200] =	vst v5;
	v3 =	vadd.f32 v3, v10;
	v57 =	vmul.f32 $1.131370830e+01, v8  }
0x117: {  	[tilespmem:s26+$0x6210] =	vst v4;
	v2 =	vadd.f32 v2, v9;
	v59 =	vmul.f32 $1.131370830e+01, v7  }
0x118: {  	[tilespmem:s26+$0x6220] =	vst v3;
	v1 =	vadd.f32 v1, v57;
	v60 =	vmul.f32 $1.131370830e+01, v6  }
0x119: {  	[tilespmem:s26+$0x6230] =	vst v2;
	v0 =	vadd.f32 v0, v59;
	v61 =	vmul.f32 $1.131370830e+01, v56  }
0x11a: {  	[tilespmem:s26+$0x6240] =	vst v1;
	v62 =	vadd.f32 v13, v60  }
0x11b: {  	[tilespmem:s26+$0x6250] =	vst v0;
	v63 =	vadd.f32 v58, v61  }
0x11c: {  	[tilespmem:s26+$0x6260] =	vst v62  }
0x11d: {  	[tilespmem:s26+$0x6270] =	vst v63  }
0x11e: {  	[hbm4b:s24+s3] =	stream.linear.scatter [tilespmem:s20], [sflag:$0x2], $0x2000, $0x38;
	[tilespmem:$0xA400] =	vst v63  }
0x11f: {  	_ =	swait.ge [sflag:s21], $0x2000  }
0x120: {  	[sflag:s21] =	ssyncset.done $0x0  }
0x121: {  	[sflag:s21] =	ssyncadd.s32 $0xFFFFE000  }
0x122: {  	_ =	swait.ge [sflag:s21], $0x2000  }
0x123: {  	[sflag:s21] =	ssyncset.done $0x0  }
0x124: {  	s25 =	sadd.s32 $0x1, s25;
	[sflag:s21] =	ssyncadd.s32 $0xFFFFE000  }
0x125: {  	p0 =	sne.s32 s25, s10;
	_ =	swait.ge [sflag:s21], $0x2000  }
.Ltmp5:
0x126: {  	[sflag:s21] =	ssyncset.done $0x0;
	(pc) =	sbr.rel @p0 .LBB2_1-.Ltmp5, $4  }
0x127: {  	[sflag:s21] =	ssyncadd.s32 $0xFFFFE000  }
0x128: {  	_ =	swait.ge [sflag:s21], $0x2000  }
0x129: {  	[sflag:s21] =	ssyncset.done $0x0  }
0x12a: {  	[sflag:s21] =	ssyncadd.s32 $0xFFFFE000  }
0x12b: {  	_ =	sfence.sel $0x180000  }
0x12c: {  	[bflag:$0x0] =	sbarrier.arrive $0xFFFF  }
0x12d: {  	p0 =	sne.s32 s2, $0x0;
	_ =	strace $0x90000047  }
0x12e: {  	s0 =	sadd.s32 @!p0 $0x100000, s0;
	[bflag:$0x2] =	sbarrier.arrive $0xFFFF  }
0x12f: {  	[sflag:s0] =	ssyncadd.tile.s32 @!p0 $0x1;
	_ =	shalt  }
.Lfunc_end2:
_tile_overlayer_lowered:
.L_overlay_start_2:
0x130: {  	(tag) =	ssettag $0x2  }
0x131: {  	s0 =	rddreg [dreg:$0x0];
	s2 =	stileid.u32  }
0x132: {  	s1 =	rddreg [dreg:$0x1];
	p0 =	sne.s32 s2, $0x0  }
0x133: {  	s3 =	rddreg [dreg:$0x2];
	[bflag:$0x3] =	sbarrier.arrive $0xFFFF;
	s2 =	simm.s32 @!p0 $0x1C03  }
0x134: {  	[timem:s3], [sflag:s2] =	dma.local @!p0 [hbm:s0], s1  }
0x135: {  	s0 =	simm.s32 @!p0 $0x3  }
0x136: {  	_ =	swait.ge @!p0 [sflag:s0], s1  }
0x137: {  	s1 =	ssub.s32 @!p0 $0x0, s1;
	[sflag:s0] =	ssyncset.done @!p0 $0x0  }
0x138: {  	[sflag:s0] =	ssyncadd.s32 @!p0 s1  }
0x139: {  	[bflag:$0x3] =	sbarrier.arrive $0xFFFF  }
0x13a: {  	_ =	shalt  }

</sc_bundles>
